<compile_context>
chip_gen: v7x
topology: tpu7x:2x2x1
jax: 0.10.2.dev20260603
libtpu: 0.0.44.dev20260713+nightly
codegen_flags: <defaults>
</compile_context>

<pallas_src>
import functools

import jax
import jax.numpy as jnp
from jax import lax
from jax.experimental import pallas as pl
from jax.experimental.pallas import tpu as pltpu
from jax.experimental.pallas import tpu_sc as plsc

NC = 2
NS = 16
NW = NC * NS
LANES = 16
EB = 128


def _sc_mesh():
    return plsc.VectorSubcoreMesh(core_axis_name="c", subcore_axis_name="s")



def _deg_body(nb, tpt, dst_ref, out_ref, idx_v, ones_v, zbuf_v, deg_sp):
    c = lax.axis_index("c")
    s = lax.axis_index("s")
    wid = c * NS + s
    for k in range(EB // LANES):
        ones_v[pl.ds(k * LANES, LANES)] = jnp.ones((LANES,), jnp.float32)
    for k in range(tpt // LANES):
        zbuf_v[pl.ds(k * LANES, LANES)] = jnp.zeros((LANES,), jnp.float32)
    pltpu.sync_copy(zbuf_v, deg_sp.at[pl.ds(s * tpt, tpt)])
    pltpu.sync_copy(dst_ref.at[wid], idx_v)
    plsc.subcore_barrier()

    def body(j, carry):
        pltpu.sync_copy(ones_v, deg_sp.at[idx_v.at[j]], add=True)
        return carry

    lax.fori_loop(0, nb, body, 0)
    plsc.subcore_barrier()
    pltpu.sync_copy(deg_sp.at[pl.ds(s * tpt, tpt)],
                    out_ref.at[c, pl.ds(s * tpt, tpt)])


def _make_deg(nb, np_):
    tpt = np_ // NS
    return pl.kernel(
        functools.partial(_deg_body, nb, tpt),
        out_type=jax.ShapeDtypeStruct((NC, np_), jnp.float32),
        mesh=_sc_mesh(),
        scratch_types=[
            pltpu.VMEM((nb, EB), jnp.int32),
            pltpu.VMEM((EB,), jnp.float32),
            pltpu.VMEM((tpt,), jnp.float32),
            pltpu.VMEM_SHARED((np_,), jnp.float32),
        ],
    )



NBUF = 4


def _prop_body(nb, tpt, f, skew, z_ref, src_ref, dst_ref, out_ref,
               sidx_v, didx_v, rows_v, gsem, acc_sp):
    c = lax.axis_index("c")
    s = lax.axis_index("s")
    wid = c * NS + s

    def zrow(i, carry):
        for k in range(f // LANES):
            rows_v[i, pl.ds(k * LANES, LANES)] = jnp.zeros((LANES,), jnp.float32)
        return carry

    lax.fori_loop(0, (2 * EB) if skew else EB, zrow, 0)
    if skew:
        for q in range(tpt // EB):
            pltpu.sync_copy(rows_v.at[pl.ds(0, EB)],
                            acc_sp.at[pl.ds(s * tpt + q * EB, EB)])
    else:
        for q in range(tpt // EB):
            pltpu.sync_copy(rows_v, acc_sp.at[pl.ds(s * tpt + q * EB, EB)])
    pltpu.sync_copy(src_ref.at[wid], sidx_v)
    pltpu.sync_copy(dst_ref.at[wid], didx_v)
    plsc.subcore_barrier()

    if skew:
        def body(v, carry):
            vv = jnp.minimum(v, nb - 1)
            wprev = jnp.maximum(v - 1, 0)
            gslot = (v % 2) * EB
            sslot = ((v + 1) % 2) * EB
            hdl = pltpu.async_copy(z_ref.at[sidx_v.at[vv]],
                                   rows_v.at[pl.ds(gslot, EB)], gsem)
            pltpu.sync_copy(rows_v.at[pl.ds(sslot, EB)],
                            acc_sp.at[didx_v.at[wprev]], add=True)
            hdl.wait()
            return carry

        lax.fori_loop(0, nb + 1, body, 0)
    else:
        def body(v, carry):
            pltpu.async_copy(z_ref.at[sidx_v.at[v]], rows_v, gsem).wait()
            pltpu.sync_copy(rows_v, acc_sp.at[didx_v.at[v]], add=True)
            return carry

        lax.fori_loop(0, nb, body, 0)
    plsc.subcore_barrier()
    pltpu.sync_copy(acc_sp.at[pl.ds(s * tpt, tpt)],
                    out_ref.at[c, pl.ds(s * tpt, tpt)])


def _make_prop(nb, np_, f, tc_tiling=True, skew=False):
    tpt = np_ // NS
    return pl.kernel(
        functools.partial(_prop_body, nb, tpt, f, skew),
        out_type=jax.ShapeDtypeStruct((NC, np_, f), jnp.float32),
        mesh=_sc_mesh(),
        scratch_types=[
            pltpu.VMEM((nb, EB), jnp.int32),
            pltpu.VMEM((nb, EB), jnp.int32),
            pltpu.VMEM(((2 * EB) if skew else EB, f), jnp.float32),
            pltpu.SemaphoreType.DMA,
            pltpu.VMEM_SHARED((np_, f), jnp.float32),
        ],
        compiler_params=None if tc_tiling else pltpu.CompilerParams(
            use_tc_tiling_on_sc=False),
    )



def _tc1_body(n, x_ref, w1_ref, dp_ref, z_ref, dinv_ref):
    deg = dp_ref[0, :] + dp_ref[1, :]
    dinv = jnp.where(deg > 0.0, lax.rsqrt(deg), 0.0)
    dinv_ref[...] = dinv
    y = jnp.dot(x_ref[...], w1_ref[...], preferred_element_type=jnp.float32)
    z_ref[:n, :] = y * dinv[:n, None]
    z_ref[n:, :] = jnp.zeros_like(z_ref[n:, :])


def _tc2_body(n, up_ref, dinv_ref, b1_ref, w2_ref, z2_ref):
    dinv = dinv_ref[:n]
    u = up_ref[0, :n, :] + up_ref[1, :n, :]
    h = u * dinv[:, None] + b1_ref[...][None, :]
    h = jnp.maximum(h, 0.0)
    h = h - jnp.mean(h, axis=0, keepdims=True)
    h = h * lax.rsqrt(1e-6 + jnp.sum(h * h, axis=1, keepdims=True))
    z2 = jnp.dot(h, w2_ref[...], preferred_element_type=jnp.float32)
    z2_ref[:n, :] = z2 * dinv[:, None]
    z2_ref[n:, :] = jnp.zeros_like(z2_ref[n:, :])


def _tc3_body(n, up_ref, dinv_ref, b2_ref, o_ref):
    dinv = dinv_ref[:n]
    u = up_ref[0, :n, :] + up_ref[1, :n, :]
    o = u * dinv[:, None] + b2_ref[...][None, :]
    o = o - jnp.mean(o, axis=0, keepdims=True)
    o = o * lax.rsqrt(1e-6 + jnp.sum(o * o, axis=1, keepdims=True))
    o_ref[...] = jax.nn.sigmoid(o)



def kernel(x_feature, adj, W1, b1, W2, b2):
    n, d = x_feature.shape
    h = W1.shape[1]
    c_out = W2.shape[1]
    e = adj.shape[1]
    np_ = n + 240
    assert np_ % (NS * 8) == 0
    fp2 = 16

    loop = jnp.arange(n, dtype=adj.dtype)
    src = jnp.concatenate([adj[0], loop])
    dst = jnp.concatenate([adj[1], loop])
    et = e + n
    nb = -(-et // (NW * EB))
    pad = NW * nb * EB - et
    padidx = n + (jnp.arange(pad, dtype=jnp.int32) % (np_ - n))
    srcp = jnp.concatenate([src, padidx]).reshape(NW, nb, EB)
    dstp = jnp.concatenate([dst, padidx]).reshape(NW, nb, EB)

    w2p = jnp.pad(W2, ((0, 0), (0, fp2 - c_out)))
    b2p = jnp.pad(b2, (0, fp2 - c_out))

    dp = _make_deg(nb, np_)(dstp)

    z1, dinv = pl.pallas_call(
        functools.partial(_tc1_body, n),
        out_shape=(jax.ShapeDtypeStruct((np_, h), jnp.float32),
                   jax.ShapeDtypeStruct((np_,), jnp.float32)),
    )(x_feature, W1, dp)

    u1 = _make_prop(nb, np_, h)(z1, srcp, dstp)

    z2 = pl.pallas_call(
        functools.partial(_tc2_body, n),
        out_shape=jax.ShapeDtypeStruct((np_, fp2), jnp.float32),
    )(u1, dinv, b1, w2p)

    u2 = _make_prop(nb, np_, fp2, tc_tiling=False, skew=True)(z2, srcp, dstp)

    o = pl.pallas_call(
        functools.partial(_tc3_body, n),
        out_shape=jax.ShapeDtypeStruct((n, fp2), jnp.float32),
    )(u2, dinv, b2p)

    return o[:, :c_out]

# --- scband reference (transcript-rebuilt; emitter-appended) ---
"""Pipeline reference for scband-classification-gcnfrom-pyg-25013889532263 (READ-ONLY COPY).

The authoritative reference and input builder live on the scoring server;
editing this copy changes nothing except your own understanding.
"""

import jax, jax.numpy as jnp
import numpy as np

N = 10000
E = 320000
D = 128
H = 128
C = 7


def setup_inputs(seed: int = 0) -> dict:
    key = jax.random.key(seed)
    k1, k2, k3, k4, k5, k6 = jax.random.split(key, 6)
    x_feature = jax.random.normal(k1, (N, D), dtype=jnp.float32)
    adj = jax.random.randint(k2, (2, E), 0, N, dtype=jnp.int32)
    W1 = jax.random.normal(k3, (D, H), dtype=jnp.float32) * (1.0 / np.sqrt(D))
    b1 = jnp.zeros((H,), dtype=jnp.float32)
    W2 = jax.random.normal(k4, (H, C), dtype=jnp.float32) * (1.0 / np.sqrt(H))
    b2 = jnp.zeros((C,), dtype=jnp.float32)
    return {"x_feature": x_feature, "adj": adj, "W1": W1, "b1": b1, "W2": W2, "b2": b2}


def _gcn_conv(x, src, dst, W, b):
    # GCNConv (PyG): x' = D^{-1/2} (A + I) D^{-1/2} X W + b
    x = x @ W
    deg = jnp.zeros((N,), x.dtype).at[dst].add(1.0)
    dinv = jnp.where(deg > 0, 1.0 / jnp.sqrt(deg), 0.0)
    norm = dinv[src] * dinv[dst]
    msg = x[src] * norm[:, None]
    out = jnp.zeros((N, W.shape[1]), x.dtype).at[dst].add(msg)
    return out + b


def _pair_norm(x):
    # PN-SI, scale=1
    x = x - x.mean(axis=0)
    row_norm = jnp.sqrt(1e-06 + jnp.sum(x * x, axis=1, keepdims=True))
    return x / row_norm


def reference(x_feature, adj, W1, b1, W2, b2):
    loop = jnp.arange(N, dtype=adj.dtype)
    src = jnp.concatenate([adj[0], loop])
    dst = jnp.concatenate([adj[1], loop])
    # layer 0 (i=0): no dropout; relu since 0 != num_of_hidden_layer-1 is False? i=0 != 1 -> relu
    h = _gcn_conv(x_feature, src, dst, W1, b1)
    h = jax.nn.relu(h)
    h = _pair_norm(h)
    # layer 1 (i=1): dropout p=0.0 (identity in eval); i == num_of_hidden_layer-1 -> no relu
    h = _gcn_conv(h, src, dst, W2, b2)
    h = _pair_norm(h)
    return jax.nn.sigmoid(h)

if __name__ == "__main__":
    import jax
    _d = setup_inputs()
    print(jax.jit(kernel)(*tuple(_d.values())))

</pallas_src>

<mosaic_0001>
#map = affine_map<(d0, d1) -> (0, 0)>
#map1 = affine_map<(d0, d1) -> (0, 0, 0)>
module attributes {stable_mosaic.version = 14 : i64} {
  func.func @_prop_body(%arg0: i32, %arg1: i32, %arg2: memref<10240x16xf32, #tpu.memory_space<hbm>>, %arg3: memref<32x81x128xi32, #tpu.memory_space<hbm>>, %arg4: memref<32x81x128xi32, #tpu.memory_space<hbm>>, %arg5: memref<2x10240x16xf32, #tpu.memory_space<hbm>>, %arg6: memref<81x128xi32, #tpu.memory_space<vmem>>, %arg7: memref<81x128xi32, #tpu.memory_space<vmem>>, %arg8: memref<256x16xf32, #tpu.memory_space<vmem>>, %arg9: memref<!tpu.dma_semaphore, #tpu.memory_space<semaphore_mem>>, %arg10: memref<10240x16xf32, #tpu.memory_space<vmem_shared>>) attributes {dimension_semantics = [#tpu.dimension_semantics<core_parallel>, #tpu.dimension_semantics<subcore_parallel>], iteration_bounds = array<i64: 2, 16>, scalar_prefetch = 0 : i64, scratch_operands = 5 : i64, tpu.core_type = #tpu.core_type<sc_vector_subcore>, window_params = [{transform_indices = #map}, {transform_indices = #map1}, {transform_indices = #map1}, {transform_indices = #map1}]} {
    %mul3A = arith.constant 16 : i32
    %mul3A_0 = arith.muli %arg0, %mul3A : i32
    %add3A = arith.addi %mul3A_0, %arg1 : i32
    %scan3A = arith.constant 0 : i32
    %scan3A_1 = arith.constant 0 : i32
    %scan3A_2 = arith.constant 256 : i32
    %scan3A_3 = arith.addi %scan3A_1, %scan3A_2 : i32
    %scan3A_4 = arith.constant 1 : i32
    scf.for %scan3A_37 = %scan3A_1 to %scan3A_3 step %scan3A_4  : i32 {
      %broadcast_in_dim3A = arith.constant 0.000000e+00 : f32
      %broadcast_in_dim3A_38 = vector.broadcast %broadcast_in_dim3A : f32 to vector<16xf32>
      %swap3A = arith.index_cast %scan3A_37 : i32 to index
      %swap3A_39 = arith.constant 0 : index
      %swap3A_40 = tpu.vector_load %arg8[%swap3A, %swap3A_39] {strides = array<i32>} : memref<256x16xf32, #tpu.memory_space<vmem>>, vector<1x16xf32>,
      %swap3A_41 = vector.shape_cast %swap3A_40 : vector<1x16xf32> to vector<16xf32>
      %swap3A_42 = vector.shape_cast %broadcast_in_dim3A_38 : vector<16xf32> to vector<1x16xf32>
      tpu.vector_store %arg8[%swap3A, %swap3A_39], %swap3A_42 {strides = array<i32>} : memref<256x16xf32, #tpu.memory_space<vmem>>, vector<1x16xf32>,
    }
    %scan3A_5 = arith.constant 256 : i32
    %mul3A_6 = arith.constant 640 : i32
    %mul3A_7 = arith.muli %arg1, %mul3A_6 : i32
    %add3A_8 = arith.constant 0 : i32
    %add3A_9 = arith.addi %mul3A_7, %add3A_8 : i32
    "tpu.region"() ({
      %run_scoped3A = tpu.sem_alloc : memref<!tpu.dma_semaphore, #tpu.memory_space<semaphore_mem>>
      %dma_start3A = arith.constant 0 : i32
      %dma_start3A_37 = arith.constant 0 : i32
      %dma_start3A_38 = tpu.memref_slice %arg8[%dma_start3A, %dma_start3A_37] : memref<256x16xf32, #tpu.memory_space<vmem>> -> memref<128x16xf32, #tpu.memory_space<vmem>>
      %dma_start3A_39 = arith.constant 0 : i32
      %dma_start3A_40 = tpu.memref_slice %arg10[%add3A_9, %dma_start3A_39] : memref<10240x16xf32, #tpu.memory_space<vmem_shared>> -> memref<128x16xf32, #tpu.memory_space<vmem_shared>>
      %dma_start3A_41 = arith.constant 0 : i32
      %dma_start3A_42 = tpu.memref_slice %arg10[%add3A_9, %dma_start3A_41] : memref<10240x16xf32, #tpu.memory_space<vmem_shared>> -> memref<128x16xf32, #tpu.memory_space<vmem_shared>>
      %dma_start3A_43 = arith.constant 0 : i32
      %dma_start3A_44 = arith.constant 0 : i32
      %dma_start3A_45 = tpu.memref_slice %arg8[%dma_start3A_43, %dma_start3A_44] : memref<256x16xf32, #tpu.memory_space<vmem>> -> memref<128x16xf32, #tpu.memory_space<vmem>>
      tpu.enqueue_dma source(%dma_start3A_45 : memref<128x16xf32, #tpu.memory_space<vmem>>) target(%dma_start3A_42 : memref<128x16xf32, #tpu.memory_space<vmem_shared>>) target_semaphore(%run_scoped3A : memref<!tpu.dma_semaphore, #tpu.memory_space<semaphore_mem>>)
      %dma_wait3A = arith.constant 0 : i32
      %dma_wait3A_46 = arith.constant 0 : i32
      %dma_wait3A_47 = tpu.memref_slice %arg8[%dma_wait3A, %dma_wait3A_46] : memref<256x16xf32, #tpu.memory_space<vmem>> -> memref<128x16xf32, #tpu.memory_space<vmem>>
      %dma_wait3A_48 = arith.constant 0 : i32
      %dma_wait3A_49 = tpu.memref_slice %arg10[%add3A_9, %dma_wait3A_48] : memref<10240x16xf32, #tpu.memory_space<vmem_shared>> -> memref<128x16xf32, #tpu.memory_space<vmem_shared>>
      %dma_wait3A_50 = arith.constant 0 : i32
      %dma_wait3A_51 = tpu.memref_slice %arg10[%add3A_9, %dma_wait3A_50] : memref<10240x16xf32, #tpu.memory_space<vmem_shared>> -> memref<128x16xf32, #tpu.memory_space<vmem_shared>>
      %dma_wait3A_52 = arith.constant 0 : i32
      %dma_wait3A_53 = arith.constant 0 : i32
      %dma_wait3A_54 = tpu.memref_slice %arg8[%dma_wait3A_52, %dma_wait3A_53] : memref<256x16xf32, #tpu.memory_space<vmem>> -> memref<128x16xf32, #tpu.memory_space<vmem>>
      tpu.wait_dma2 semaphore(%run_scoped3A : memref<!tpu.dma_semaphore, #tpu.memory_space<semaphore_mem>>) src(%dma_wait3A_54 : memref<128x16xf32, #tpu.memory_space<vmem>>) dst(%dma_wait3A_51 : memref<128x16xf32, #tpu.memory_space<vmem_shared>>)
      tpu.yield
    }) : () -> ()
    %mul3A_10 = arith.constant 640 : i32
    %mul3A_11 = arith.muli %arg1, %mul3A_10 : i32
    %add3A_12 = arith.constant 128 : i32
    %add3A_13 = arith.addi %mul3A_11, %add3A_12 : i32
    "tpu.region"() ({
      %run_scoped3A = tpu.sem_alloc : memref<!tpu.dma_semaphore, #tpu.memory_space<semaphore_mem>>
      %dma_start3A = arith.constant 0 : i32
      %dma_start3A_37 = arith.constant 0 : i32
      %dma_start3A_38 = tpu.memref_slice %arg8[%dma_start3A, %dma_start3A_37] : memref<256x16xf32, #tpu.memory_space<vmem>> -> memref<128x16xf32, #tpu.memory_space<vmem>>
      %dma_start3A_39 = arith.constant 0 : i32
      %dma_start3A_40 = tpu.memref_slice %arg10[%add3A_13, %dma_start3A_39] : memref<10240x16xf32, #tpu.memory_space<vmem_shared>> -> memref<128x16xf32, #tpu.memory_space<vmem_shared>>
      %dma_start3A_41 = arith.constant 0 : i32
      %dma_start3A_42 = tpu.memref_slice %arg10[%add3A_13, %dma_start3A_41] : memref<10240x16xf32, #tpu.memory_space<vmem_shared>> -> memref<128x16xf32, #tpu.memory_space<vmem_shared>>
      %dma_start3A_43 = arith.constant 0 : i32
      %dma_start3A_44 = arith.constant 0 : i32
      %dma_start3A_45 = tpu.memref_slice %arg8[%dma_start3A_43, %dma_start3A_44] : memref<256x16xf32, #tpu.memory_space<vmem>> -> memref<128x16xf32, #tpu.memory_space<vmem>>
      tpu.enqueue_dma source(%dma_start3A_45 : memref<128x16xf32, #tpu.memory_space<vmem>>) target(%dma_start3A_42 : memref<128x16xf32, #tpu.memory_space<vmem_shared>>) target_semaphore(%run_scoped3A : memref<!tpu.dma_semaphore, #tpu.memory_space<semaphore_mem>>)
      %dma_wait3A = arith.constant 0 : i32
      %dma_wait3A_46 = arith.constant 0 : i32
      %dma_wait3A_47 = tpu.memref_slice %arg8[%dma_wait3A, %dma_wait3A_46] : memref<256x16xf32, #tpu.memory_space<vmem>> -> memref<128x16xf32, #tpu.memory_space<vmem>>
      %dma_wait3A_48 = arith.constant 0 : i32
      %dma_wait3A_49 = tpu.memref_slice %arg10[%add3A_13, %dma_wait3A_48] : memref<10240x16xf32, #tpu.memory_space<vmem_shared>> -> memref<128x16xf32, #tpu.memory_space<vmem_shared>>
      %dma_wait3A_50 = arith.constant 0 : i32
      %dma_wait3A_51 = tpu.memref_slice %arg10[%add3A_13, %dma_wait3A_50] : memref<10240x16xf32, #tpu.memory_space<vmem_shared>> -> memref<128x16xf32, #tpu.memory_space<vmem_shared>>
      %dma_wait3A_52 = arith.constant 0 : i32
      %dma_wait3A_53 = arith.constant 0 : i32
      %dma_wait3A_54 = tpu.memref_slice %arg8[%dma_wait3A_52, %dma_wait3A_53] : memref<256x16xf32, #tpu.memory_space<vmem>> -> memref<128x16xf32, #tpu.memory_space<vmem>>
      tpu.wait_dma2 semaphore(%run_scoped3A : memref<!tpu.dma_semaphore, #tpu.memory_space<semaphore_mem>>) src(%dma_wait3A_54 : memref<128x16xf32, #tpu.memory_space<vmem>>) dst(%dma_wait3A_51 : memref<128x16xf32, #tpu.memory_space<vmem_shared>>)
      tpu.yield
    }) : () -> ()
    %mul3A_14 = arith.constant 640 : i32
    %mul3A_15 = arith.muli %arg1, %mul3A_14 : i32
    %add3A_16 = arith.constant 256 : i32
    %add3A_17 = arith.addi %mul3A_15, %add3A_16 : i32
    "tpu.region"() ({
      %run_scoped3A = tpu.sem_alloc : memref<!tpu.dma_semaphore, #tpu.memory_space<semaphore_mem>>
      %dma_start3A = arith.constant 0 : i32
      %dma_start3A_37 = arith.constant 0 : i32
      %dma_start3A_38 = tpu.memref_slice %arg8[%dma_start3A, %dma_start3A_37] : memref<256x16xf32, #tpu.memory_space<vmem>> -> memref<128x16xf32, #tpu.memory_space<vmem>>
      %dma_start3A_39 = arith.constant 0 : i32
      %dma_start3A_40 = tpu.memref_slice %arg10[%add3A_17, %dma_start3A_39] : memref<10240x16xf32, #tpu.memory_space<vmem_shared>> -> memref<128x16xf32, #tpu.memory_space<vmem_shared>>
      %dma_start3A_41 = arith.constant 0 : i32
      %dma_start3A_42 = tpu.memref_slice %arg10[%add3A_17, %dma_start3A_41] : memref<10240x16xf32, #tpu.memory_space<vmem_shared>> -> memref<128x16xf32, #tpu.memory_space<vmem_shared>>
      %dma_start3A_43 = arith.constant 0 : i32
      %dma_start3A_44 = arith.constant 0 : i32
      %dma_start3A_45 = tpu.memref_slice %arg8[%dma_start3A_43, %dma_start3A_44] : memref<256x16xf32, #tpu.memory_space<vmem>> -> memref<128x16xf32, #tpu.memory_space<vmem>>
      tpu.enqueue_dma source(%dma_start3A_45 : memref<128x16xf32, #tpu.memory_space<vmem>>) target(%dma_start3A_42 : memref<128x16xf32, #tpu.memory_space<vmem_shared>>) target_semaphore(%run_scoped3A : memref<!tpu.dma_semaphore, #tpu.memory_space<semaphore_mem>>)
      %dma_wait3A = arith.constant 0 : i32
      %dma_wait3A_46 = arith.constant 0 : i32
      %dma_wait3A_47 = tpu.memref_slice %arg8[%dma_wait3A, %dma_wait3A_46] : memref<256x16xf32, #tpu.memory_space<vmem>> -> memref<128x16xf32, #tpu.memory_space<vmem>>
      %dma_wait3A_48 = arith.constant 0 : i32
      %dma_wait3A_49 = tpu.memref_slice %arg10[%add3A_17, %dma_wait3A_48] : memref<10240x16xf32, #tpu.memory_space<vmem_shared>> -> memref<128x16xf32, #tpu.memory_space<vmem_shared>>
      %dma_wait3A_50 = arith.constant 0 : i32
      %dma_wait3A_51 = tpu.memref_slice %arg10[%add3A_17, %dma_wait3A_50] : memref<10240x16xf32, #tpu.memory_space<vmem_shared>> -> memref<128x16xf32, #tpu.memory_space<vmem_shared>>
      %dma_wait3A_52 = arith.constant 0 : i32
      %dma_wait3A_53 = arith.constant 0 : i32
      %dma_wait3A_54 = tpu.memref_slice %arg8[%dma_wait3A_52, %dma_wait3A_53] : memref<256x16xf32, #tpu.memory_space<vmem>> -> memref<128x16xf32, #tpu.memory_space<vmem>>
      tpu.wait_dma2 semaphore(%run_scoped3A : memref<!tpu.dma_semaphore, #tpu.memory_space<semaphore_mem>>) src(%dma_wait3A_54 : memref<128x16xf32, #tpu.memory_space<vmem>>) dst(%dma_wait3A_51 : memref<128x16xf32, #tpu.memory_space<vmem_shared>>)
      tpu.yield
    }) : () -> ()
    %mul3A_18 = arith.constant 640 : i32
    %mul3A_19 = arith.muli %arg1, %mul3A_18 : i32
    %add3A_20 = arith.constant 384 : i32
    %add3A_21 = arith.addi %mul3A_19, %add3A_20 : i32
    "tpu.region"() ({
      %run_scoped3A = tpu.sem_alloc : memref<!tpu.dma_semaphore, #tpu.memory_space<semaphore_mem>>
      %dma_start3A = arith.constant 0 : i32
      %dma_start3A_37 = arith.constant 0 : i32
      %dma_start3A_38 = tpu.memref_slice %arg8[%dma_start3A, %dma_start3A_37] : memref<256x16xf32, #tpu.memory_space<vmem>> -> memref<128x16xf32, #tpu.memory_space<vmem>>
      %dma_start3A_39 = arith.constant 0 : i32
      %dma_start3A_40 = tpu.memref_slice %arg10[%add3A_21, %dma_start3A_39] : memref<10240x16xf32, #tpu.memory_space<vmem_shared>> -> memref<128x16xf32, #tpu.memory_space<vmem_shared>>
      %dma_start3A_41 = arith.constant 0 : i32
      %dma_start3A_42 = tpu.memref_slice %arg10[%add3A_21, %dma_start3A_41] : memref<10240x16xf32, #tpu.memory_space<vmem_shared>> -> memref<128x16xf32, #tpu.memory_space<vmem_shared>>
      %dma_start3A_43 = arith.constant 0 : i32
      %dma_start3A_44 = arith.constant 0 : i32
      %dma_start3A_45 = tpu.memref_slice %arg8[%dma_start3A_43, %dma_start3A_44] : memref<256x16xf32, #tpu.memory_space<vmem>> -> memref<128x16xf32, #tpu.memory_space<vmem>>
      tpu.enqueue_dma source(%dma_start3A_45 : memref<128x16xf32, #tpu.memory_space<vmem>>) target(%dma_start3A_42 : memref<128x16xf32, #tpu.memory_space<vmem_shared>>) target_semaphore(%run_scoped3A : memref<!tpu.dma_semaphore, #tpu.memory_space<semaphore_mem>>)
      %dma_wait3A = arith.constant 0 : i32
      %dma_wait3A_46 = arith.constant 0 : i32
      %dma_wait3A_47 = tpu.memref_slice %arg8[%dma_wait3A, %dma_wait3A_46] : memref<256x16xf32, #tpu.memory_space<vmem>> -> memref<128x16xf32, #tpu.memory_space<vmem>>
      %dma_wait3A_48 = arith.constant 0 : i32
      %dma_wait3A_49 = tpu.memref_slice %arg10[%add3A_21, %dma_wait3A_48] : memref<10240x16xf32, #tpu.memory_space<vmem_shared>> -> memref<128x16xf32, #tpu.memory_space<vmem_shared>>
      %dma_wait3A_50 = arith.constant 0 : i32
      %dma_wait3A_51 = tpu.memref_slice %arg10[%add3A_21, %dma_wait3A_50] : memref<10240x16xf32, #tpu.memory_space<vmem_shared>> -> memref<128x16xf32, #tpu.memory_space<vmem_shared>>
      %dma_wait3A_52 = arith.constant 0 : i32
      %dma_wait3A_53 = arith.constant 0 : i32
      %dma_wait3A_54 = tpu.memref_slice %arg8[%dma_wait3A_52, %dma_wait3A_53] : memref<256x16xf32, #tpu.memory_space<vmem>> -> memref<128x16xf32, #tpu.memory_space<vmem>>
      tpu.wait_dma2 semaphore(%run_scoped3A : memref<!tpu.dma_semaphore, #tpu.memory_space<semaphore_mem>>) src(%dma_wait3A_54 : memref<128x16xf32, #tpu.memory_space<vmem>>) dst(%dma_wait3A_51 : memref<128x16xf32, #tpu.memory_space<vmem_shared>>)
      tpu.yield
    }) : () -> ()
    %mul3A_22 = arith.constant 640 : i32
    %mul3A_23 = arith.muli %arg1, %mul3A_22 : i32
    %add3A_24 = arith.constant 512 : i32
    %add3A_25 = arith.addi %mul3A_23, %add3A_24 : i32
    "tpu.region"() ({
      %run_scoped3A = tpu.sem_alloc : memref<!tpu.dma_semaphore, #tpu.memory_space<semaphore_mem>>
      %dma_start3A = arith.constant 0 : i32
      %dma_start3A_37 = arith.constant 0 : i32
      %dma_start3A_38 = tpu.memref_slice %arg8[%dma_start3A, %dma_start3A_37] : memref<256x16xf32, #tpu.memory_space<vmem>> -> memref<128x16xf32, #tpu.memory_space<vmem>>
      %dma_start3A_39 = arith.constant 0 : i32
      %dma_start3A_40 = tpu.memref_slice %arg10[%add3A_25, %dma_start3A_39] : memref<10240x16xf32, #tpu.memory_space<vmem_shared>> -> memref<128x16xf32, #tpu.memory_space<vmem_shared>>
      %dma_start3A_41 = arith.constant 0 : i32
      %dma_start3A_42 = tpu.memref_slice %arg10[%add3A_25, %dma_start3A_41] : memref<10240x16xf32, #tpu.memory_space<vmem_shared>> -> memref<128x16xf32, #tpu.memory_space<vmem_shared>>
      %dma_start3A_43 = arith.constant 0 : i32
      %dma_start3A_44 = arith.constant 0 : i32
      %dma_start3A_45 = tpu.memref_slice %arg8[%dma_start3A_43, %dma_start3A_44] : memref<256x16xf32, #tpu.memory_space<vmem>> -> memref<128x16xf32, #tpu.memory_space<vmem>>
      tpu.enqueue_dma source(%dma_start3A_45 : memref<128x16xf32, #tpu.memory_space<vmem>>) target(%dma_start3A_42 : memref<128x16xf32, #tpu.memory_space<vmem_shared>>) target_semaphore(%run_scoped3A : memref<!tpu.dma_semaphore, #tpu.memory_space<semaphore_mem>>)
      %dma_wait3A = arith.constant 0 : i32
      %dma_wait3A_46 = arith.constant 0 : i32
      %dma_wait3A_47 = tpu.memref_slice %arg8[%dma_wait3A, %dma_wait3A_46] : memref<256x16xf32, #tpu.memory_space<vmem>> -> memref<128x16xf32, #tpu.memory_space<vmem>>
      %dma_wait3A_48 = arith.constant 0 : i32
      %dma_wait3A_49 = tpu.memref_slice %arg10[%add3A_25, %dma_wait3A_48] : memref<10240x16xf32, #tpu.memory_space<vmem_shared>> -> memref<128x16xf32, #tpu.memory_space<vmem_shared>>
      %dma_wait3A_50 = arith.constant 0 : i32
      %dma_wait3A_51 = tpu.memref_slice %arg10[%add3A_25, %dma_wait3A_50] : memref<10240x16xf32, #tpu.memory_space<vmem_shared>> -> memref<128x16xf32, #tpu.memory_space<vmem_shared>>
      %dma_wait3A_52 = arith.constant 0 : i32
      %dma_wait3A_53 = arith.constant 0 : i32
      %dma_wait3A_54 = tpu.memref_slice %arg8[%dma_wait3A_52, %dma_wait3A_53] : memref<256x16xf32, #tpu.memory_space<vmem>> -> memref<128x16xf32, #tpu.memory_space<vmem>>
      tpu.wait_dma2 semaphore(%run_scoped3A : memref<!tpu.dma_semaphore, #tpu.memory_space<semaphore_mem>>) src(%dma_wait3A_54 : memref<128x16xf32, #tpu.memory_space<vmem>>) dst(%dma_wait3A_51 : memref<128x16xf32, #tpu.memory_space<vmem_shared>>)
      tpu.yield
    }) : () -> ()
    "tpu.region"() ({
      %run_scoped3A = tpu.sem_alloc : memref<!tpu.dma_semaphore, #tpu.memory_space<semaphore_mem>>
      %dma_start3A = arith.constant 0 : i32
      %dma_start3A_37 = arith.constant 0 : i32
      %dma_start3A_38 = tpu.memref_slice %arg3[%add3A, %dma_start3A, %dma_start3A_37] : memref<32x81x128xi32, #tpu.memory_space<hbm>> -> memref<1x81x128xi32, #tpu.memory_space<hbm>>
      %dma_start3A_39 = tpu.memref_squeeze %dma_start3A_38 : memref<1x81x128xi32, #tpu.memory_space<hbm>> -> memref<81x128xi32, #tpu.memory_space<hbm>>
      %dma_start3A_40 = arith.constant 0 : i32
      %dma_start3A_41 = arith.constant 0 : i32
      %dma_start3A_42 = tpu.memref_slice %arg3[%add3A, %dma_start3A_40, %dma_start3A_41] : memref<32x81x128xi32, #tpu.memory_space<hbm>> -> memref<1x81x128xi32, #tpu.memory_space<hbm>>
      %dma_start3A_43 = tpu.memref_squeeze %dma_start3A_42 : memref<1x81x128xi32, #tpu.memory_space<hbm>> -> memref<81x128xi32, #tpu.memory_space<hbm>>
      tpu.enqueue_dma source(%dma_start3A_43 : memref<81x128xi32, #tpu.memory_space<hbm>>) target(%arg6 : memref<81x128xi32, #tpu.memory_space<vmem>>) target_semaphore(%run_scoped3A : memref<!tpu.dma_semaphore, #tpu.memory_space<semaphore_mem>>)
      %dma_wait3A = arith.constant 0 : i32
      %dma_wait3A_44 = arith.constant 0 : i32
      %dma_wait3A_45 = tpu.memref_slice %arg3[%add3A, %dma_wait3A, %dma_wait3A_44] : memref<32x81x128xi32, #tpu.memory_space<hbm>> -> memref<1x81x128xi32, #tpu.memory_space<hbm>>
      %dma_wait3A_46 = tpu.memref_squeeze %dma_wait3A_45 : memref<1x81x128xi32, #tpu.memory_space<hbm>> -> memref<81x128xi32, #tpu.memory_space<hbm>>
      %dma_wait3A_47 = arith.constant 0 : i32
      %dma_wait3A_48 = arith.constant 0 : i32
      %dma_wait3A_49 = tpu.memref_slice %arg3[%add3A, %dma_wait3A_47, %dma_wait3A_48] : memref<32x81x128xi32, #tpu.memory_space<hbm>> -> memref<1x81x128xi32, #tpu.memory_space<hbm>>
      %dma_wait3A_50 = tpu.memref_squeeze %dma_wait3A_49 : memref<1x81x128xi32, #tpu.memory_space<hbm>> -> memref<81x128xi32, #tpu.memory_space<hbm>>
      tpu.wait_dma2 semaphore(%run_scoped3A : memref<!tpu.dma_semaphore, #tpu.memory_space<semaphore_mem>>) src(%dma_wait3A_50 : memref<81x128xi32, #tpu.memory_space<hbm>>) dst(%arg6 : memref<81x128xi32, #tpu.memory_space<vmem>>)
      tpu.yield
    }) : () -> ()
    "tpu.region"() ({
      %run_scoped3A = tpu.sem_alloc : memref<!tpu.dma_semaphore, #tpu.memory_space<semaphore_mem>>
      %dma_start3A = arith.constant 0 : i32
      %dma_start3A_37 = arith.constant 0 : i32
      %dma_start3A_38 = tpu.memref_slice %arg4[%add3A, %dma_start3A, %dma_start3A_37] : memref<32x81x128xi32, #tpu.memory_space<hbm>> -> memref<1x81x128xi32, #tpu.memory_space<hbm>>
      %dma_start3A_39 = tpu.memref_squeeze %dma_start3A_38 : memref<1x81x128xi32, #tpu.memory_space<hbm>> -> memref<81x128xi32, #tpu.memory_space<hbm>>
      %dma_start3A_40 = arith.constant 0 : i32
      %dma_start3A_41 = arith.constant 0 : i32
      %dma_start3A_42 = tpu.memref_slice %arg4[%add3A, %dma_start3A_40, %dma_start3A_41] : memref<32x81x128xi32, #tpu.memory_space<hbm>> -> memref<1x81x128xi32, #tpu.memory_space<hbm>>
      %dma_start3A_43 = tpu.memref_squeeze %dma_start3A_42 : memref<1x81x128xi32, #tpu.memory_space<hbm>> -> memref<81x128xi32, #tpu.memory_space<hbm>>
      tpu.enqueue_dma source(%dma_start3A_43 : memref<81x128xi32, #tpu.memory_space<hbm>>) target(%arg7 : memref<81x128xi32, #tpu.memory_space<vmem>>) target_semaphore(%run_scoped3A : memref<!tpu.dma_semaphore, #tpu.memory_space<semaphore_mem>>)
      %dma_wait3A = arith.constant 0 : i32
      %dma_wait3A_44 = arith.constant 0 : i32
      %dma_wait3A_45 = tpu.memref_slice %arg4[%add3A, %dma_wait3A, %dma_wait3A_44] : memref<32x81x128xi32, #tpu.memory_space<hbm>> -> memref<1x81x128xi32, #tpu.memory_space<hbm>>
      %dma_wait3A_46 = tpu.memref_squeeze %dma_wait3A_45 : memref<1x81x128xi32, #tpu.memory_space<hbm>> -> memref<81x128xi32, #tpu.memory_space<hbm>>
      %dma_wait3A_47 = arith.constant 0 : i32
      %dma_wait3A_48 = arith.constant 0 : i32
      %dma_wait3A_49 = tpu.memref_slice %arg4[%add3A, %dma_wait3A_47, %dma_wait3A_48] : memref<32x81x128xi32, #tpu.memory_space<hbm>> -> memref<1x81x128xi32, #tpu.memory_space<hbm>>
      %dma_wait3A_50 = tpu.memref_squeeze %dma_wait3A_49 : memref<1x81x128xi32, #tpu.memory_space<hbm>> -> memref<81x128xi32, #tpu.memory_space<hbm>>
      tpu.wait_dma2 semaphore(%run_scoped3A : memref<!tpu.dma_semaphore, #tpu.memory_space<semaphore_mem>>) src(%dma_wait3A_50 : memref<81x128xi32, #tpu.memory_space<hbm>>) dst(%arg7 : memref<81x128xi32, #tpu.memory_space<vmem>>)
      tpu.yield
    }) : () -> ()
    %barrier3A = arith.constant 0 : index
    tpu.barrier barrier_id(%barrier3A)
    %scan3A_26 = arith.constant 0 : i32
    %scan3A_27 = arith.constant 0 : i32
    %scan3A_28 = arith.constant 82 : i32
    %scan3A_29 = arith.addi %scan3A_27, %scan3A_28 : i32
    %scan3A_30 = arith.constant 1 : i32
    scf.for %scan3A_37 = %scan3A_27 to %scan3A_29 step %scan3A_30  : i32 {
      %min3A = arith.constant 80 : i32
      %min3A_38 = arith.minsi %scan3A_37, %min3A : i32
      %sub3A = arith.constant 1 : i32
      %sub3A_39 = arith.subi %scan3A_37, %sub3A : i32
      %max3A = arith.constant 0 : i32
      %max3A_40 = arith.maxsi %sub3A_39, %max3A : i32
      %jit3A = arith.constant 2 : i32
      %eq3A = arith.constant 0 : i32
      %eq3A_41 = arith.cmpi eq, %jit3A, %eq3A : i32
      %jit3A_42 = arith.constant 1 : i32
      %select_n3A = arith.select %eq3A_41, %jit3A_42, %jit3A : i32
      %rem3A = arith.remsi %scan3A_37, %select_n3A : i32
      %ne3A = arith.constant 0 : i32
      %ne3A_43 = arith.cmpi ne, %rem3A, %ne3A : i32
      %lt3A = arith.constant 0 : i32
      %lt3A_44 = arith.cmpi slt, %rem3A, %lt3A : i32
      %lt3A_45 = arith.constant 0 : i32
      %lt3A_46 = arith.cmpi slt, %select_n3A, %lt3A_45 : i32
      %ne3A_47 = arith.xori %lt3A_44, %lt3A_46 : i1
      %and3A = arith.andi %ne3A_47, %ne3A_43 : i1
      %add3A_48 = arith.addi %rem3A, %select_n3A : i32
      %select_n3A_49 = arith.select %and3A, %add3A_48, %rem3A : i32
      %mul3A_50 = arith.constant 128 : i32
      %mul3A_51 = arith.muli %select_n3A_49, %mul3A_50 : i32
      %add3A_52 = arith.constant 1 : i32
      %add3A_53 = arith.addi %scan3A_37, %add3A_52 : i32
      %jit3A_54 = arith.constant 2 : i32
      %eq3A_55 = arith.constant 0 : i32
      %eq3A_56 = arith.cmpi eq, %jit3A_54, %eq3A_55 : i32
      %jit3A_57 = arith.constant 1 : i32
      %select_n3A_58 = arith.select %eq3A_56, %jit3A_57, %jit3A_54 : i32
      %rem3A_59 = arith.remsi %add3A_53, %select_n3A_58 : i32
      %ne3A_60 = arith.constant 0 : i32
      %ne3A_61 = arith.cmpi ne, %rem3A_59, %ne3A_60 : i32
      %lt3A_62 = arith.constant 0 : i32
      %lt3A_63 = arith.cmpi slt, %rem3A_59, %lt3A_62 : i32
      %lt3A_64 = arith.constant 0 : i32
      %lt3A_65 = arith.cmpi slt, %select_n3A_58, %lt3A_64 : i32
      %ne3A_66 = arith.xori %lt3A_63, %lt3A_65 : i1
      %and3A_67 = arith.andi %ne3A_66, %ne3A_61 : i1
      %add3A_68 = arith.addi %rem3A_59, %select_n3A_58 : i32
      %select_n3A_69 = arith.select %and3A_67, %add3A_68, %rem3A_59 : i32
      %mul3A_70 = arith.constant 128 : i32
      %mul3A_71 = arith.muli %select_n3A_69, %mul3A_70 : i32
      %dma_start3A = arith.constant 0 : i32
      %dma_start3A_72 = tpu.memref_slice %arg8[%mul3A_51, %dma_start3A] : memref<256x16xf32, #tpu.memory_space<vmem>> -> memref<128x16xf32, #tpu.memory_space<vmem>>
      %dma_start3A_73 = arith.constant 0 : i32
      %dma_start3A_74 = tpu.memref_slice %arg6[%min3A_38, %dma_start3A_73] : memref<81x128xi32, #tpu.memory_space<vmem>> -> memref<1x128xi32, #tpu.memory_space<vmem>>
      %dma_start3A_75 = tpu.memref_squeeze %dma_start3A_74 : memref<1x128xi32, #tpu.memory_space<vmem>> -> memref<128xi32, #tpu.memory_space<vmem>>
      %dma_start3A_76 = arith.constant 0 : i32
      %dma_start3A_77 = arith.constant 0 : i32
      %dma_start3A_78 = tpu.memref_slice %arg2[%dma_start3A_76, %dma_start3A_77] : memref<10240x16xf32, #tpu.memory_space<hbm>> -> memref<10240x16xf32, #tpu.memory_space<hbm>>
      tpu.enqueue_indirect_dma source(%dma_start3A_78 : memref<10240x16xf32, #tpu.memory_space<hbm>>) target(%dma_start3A_72 : memref<128x16xf32, #tpu.memory_space<vmem>>) offsets(%dma_start3A_75 : memref<128xi32, #tpu.memory_space<vmem>>) semaphore(%arg9 : memref<!tpu.dma_semaphore, #tpu.memory_space<semaphore_mem>>)
      "tpu.region"() ({
        %run_scoped3A = tpu.sem_alloc : memref<!tpu.dma_semaphore, #tpu.memory_space<semaphore_mem>>
        %dma_start3A_86 = arith.constant 0 : i32
        %dma_start3A_87 = tpu.memref_slice %arg8[%mul3A_71, %dma_start3A_86] : memref<256x16xf32, #tpu.memory_space<vmem>> -> memref<128x16xf32, #tpu.memory_space<vmem>>
        %dma_start3A_88 = arith.constant 0 : i32
        %dma_start3A_89 = tpu.memref_slice %arg7[%max3A_40, %dma_start3A_88] : memref<81x128xi32, #tpu.memory_space<vmem>> -> memref<1x128xi32, #tpu.memory_space<vmem>>
        %dma_start3A_90 = tpu.memref_squeeze %dma_start3A_89 : memref<1x128xi32, #tpu.memory_space<vmem>> -> memref<128xi32, #tpu.memory_space<vmem>>
        %dma_start3A_91 = arith.constant 0 : i32
        %dma_start3A_92 = arith.constant 0 : i32
        %dma_start3A_93 = tpu.memref_slice %arg10[%dma_start3A_91, %dma_start3A_92] : memref<10240x16xf32, #tpu.memory_space<vmem_shared>> -> memref<10240x16xf32, #tpu.memory_space<vmem_shared>>
        tpu.enqueue_indirect_dma source(%dma_start3A_87 : memref<128x16xf32, #tpu.memory_space<vmem>>) target(%dma_start3A_93 : memref<10240x16xf32, #tpu.memory_space<vmem_shared>>) offsets(%dma_start3A_90 : memref<128xi32, #tpu.memory_space<vmem>>) semaphore(%run_scoped3A : memref<!tpu.dma_semaphore, #tpu.memory_space<semaphore_mem>>) {add = true}
        %dma_wait3A_94 = arith.constant 0 : i32
        %dma_wait3A_95 = tpu.memref_slice %arg8[%mul3A_71, %dma_wait3A_94] : memref<256x16xf32, #tpu.memory_space<vmem>> -> memref<128x16xf32, #tpu.memory_space<vmem>>
        %dma_wait3A_96 = arith.constant 0 : i32
        %dma_wait3A_97 = tpu.memref_slice %arg7[%max3A_40, %dma_wait3A_96] : memref<81x128xi32, #tpu.memory_space<vmem>> -> memref<1x128xi32, #tpu.memory_space<vmem>>
        %dma_wait3A_98 = tpu.memref_squeeze %dma_wait3A_97 : memref<1x128xi32, #tpu.memory_space<vmem>> -> memref<128xi32, #tpu.memory_space<vmem>>
        %dma_wait3A_99 = arith.constant 0 : i32
        %dma_wait3A_100 = arith.constant 0 : i32
        %dma_wait3A_101 = tpu.memref_slice %arg10[%dma_wait3A_99, %dma_wait3A_100] : memref<10240x16xf32, #tpu.memory_space<vmem_shared>> -> memref<10240x16xf32, #tpu.memory_space<vmem_shared>>
        tpu.wait_indirect_dma semaphore(%run_scoped3A : memref<!tpu.dma_semaphore, #tpu.memory_space<semaphore_mem>>) src(%dma_wait3A_95 : memref<128x16xf32, #tpu.memory_space<vmem>>) dst(%dma_wait3A_101 : memref<10240x16xf32, #tpu.memory_space<vmem_shared>>)
        tpu.yield
      }) : () -> ()
      %dma_wait3A = arith.constant 0 : i32
      %dma_wait3A_79 = tpu.memref_slice %arg8[%mul3A_51, %dma_wait3A] : memref<256x16xf32, #tpu.memory_space<vmem>> -> memref<128x16xf32, #tpu.memory_space<vmem>>
      %dma_wait3A_80 = arith.constant 0 : i32
      %dma_wait3A_81 = tpu.memref_slice %arg6[%min3A_38, %dma_wait3A_80] : memref<81x128xi32, #tpu.memory_space<vmem>> -> memref<1x128xi32, #tpu.memory_space<vmem>>
      %dma_wait3A_82 = tpu.memref_squeeze %dma_wait3A_81 : memref<1x128xi32, #tpu.memory_space<vmem>> -> memref<128xi32, #tpu.memory_space<vmem>>
      %dma_wait3A_83 = arith.constant 0 : i32
      %dma_wait3A_84 = arith.constant 0 : i32
      %dma_wait3A_85 = tpu.memref_slice %arg2[%dma_wait3A_83, %dma_wait3A_84] : memref<10240x16xf32, #tpu.memory_space<hbm>> -> memref<10240x16xf32, #tpu.memory_space<hbm>>
      tpu.wait_indirect_dma semaphore(%arg9 : memref<!tpu.dma_semaphore, #tpu.memory_space<semaphore_mem>>) src(%dma_wait3A_85 : memref<10240x16xf32, #tpu.memory_space<hbm>>) dst(%dma_wait3A_79 : memref<128x16xf32, #tpu.memory_space<vmem>>)
    }
    %scan3A_31 = arith.constant 82 : i32
    %barrier3A_32 = arith.constant 0 : index
    tpu.barrier barrier_id(%barrier3A_32)
    %mul3A_33 = arith.constant 640 : i32
    %mul3A_34 = arith.muli %arg1, %mul3A_33 : i32
    %mul3A_35 = arith.constant 640 : i32
    %mul3A_36 = arith.muli %arg1, %mul3A_35 : i32
    "tpu.region"() ({
      %run_scoped3A = tpu.sem_alloc : memref<!tpu.dma_semaphore, #tpu.memory_space<semaphore_mem>>
      %dma_start3A = arith.constant 0 : i32
      %dma_start3A_37 = tpu.memref_slice %arg5[%arg0, %mul3A_36, %dma_start3A] : memref<2x10240x16xf32, #tpu.memory_space<hbm>> -> memref<1x640x16xf32, #tpu.memory_space<hbm>>
      %dma_start3A_38 = tpu.memref_squeeze %dma_start3A_37 : memref<1x640x16xf32, #tpu.memory_space<hbm>> -> memref<640x16xf32, #tpu.memory_space<hbm>>
      %dma_start3A_39 = arith.constant 0 : i32
      %dma_start3A_40 = tpu.memref_slice %arg10[%mul3A_34, %dma_start3A_39] : memref<10240x16xf32, #tpu.memory_space<vmem_shared>> -> memref<640x16xf32, #tpu.memory_space<vmem_shared>>
      tpu.enqueue_dma source(%dma_start3A_40 : memref<640x16xf32, #tpu.memory_space<vmem_shared>>) target(%dma_start3A_38 : memref<640x16xf32, #tpu.memory_space<hbm>>) target_semaphore(%run_scoped3A : memref<!tpu.dma_semaphore, #tpu.memory_space<semaphore_mem>>)
      %dma_wait3A = arith.constant 0 : i32
      %dma_wait3A_41 = tpu.memref_slice %arg5[%arg0, %mul3A_36, %dma_wait3A] : memref<2x10240x16xf32, #tpu.memory_space<hbm>> -> memref<1x640x16xf32, #tpu.memory_space<hbm>>
      %dma_wait3A_42 = tpu.memref_squeeze %dma_wait3A_41 : memref<1x640x16xf32, #tpu.memory_space<hbm>> -> memref<640x16xf32, #tpu.memory_space<hbm>>
      %dma_wait3A_43 = arith.constant 0 : i32
      %dma_wait3A_44 = tpu.memref_slice %arg10[%mul3A_34, %dma_wait3A_43] : memref<10240x16xf32, #tpu.memory_space<vmem_shared>> -> memref<640x16xf32, #tpu.memory_space<vmem_shared>>
      tpu.wait_dma2 semaphore(%run_scoped3A : memref<!tpu.dma_semaphore, #tpu.memory_space<semaphore_mem>>) src(%dma_wait3A_44 : memref<640x16xf32, #tpu.memory_space<vmem_shared>>) dst(%dma_wait3A_42 : memref<640x16xf32, #tpu.memory_space<hbm>>)
      tpu.yield
    }) : () -> ()
    return
  }
}

#map = affine_map<(d0, d1) -> (0, 0, 0)>
#map1 = affine_map<(d0, d1) -> (0, 0)>
module attributes {stable_mosaic.version = 14 : i64} {
  func.func @_deg_body(%arg0: i32, %arg1: i32, %arg2: memref<32x81x128xi32, #tpu.memory_space<hbm>>, %arg3: memref<2x10240xf32, #tpu.memory_space<hbm>>, %arg4: memref<81x128xi32, #tpu.memory_space<vmem>>, %arg5: memref<128xf32, #tpu.memory_space<vmem>>, %arg6: memref<640xf32, #tpu.memory_space<vmem>>, %arg7: memref<10240xf32, #tpu.memory_space<vmem_shared>>) attributes {dimension_semantics = [#tpu.dimension_semantics<core_parallel>, #tpu.dimension_semantics<subcore_parallel>], iteration_bounds = array<i64: 2, 16>, scalar_prefetch = 0 : i64, scratch_operands = 4 : i64, tpu.core_type = #tpu.core_type<sc_vector_subcore>, window_params = [{transform_indices = #map}, {transform_indices = #map1}]} {
    %mul3A = arith.constant 16 : i32
    %mul3A_0 = arith.muli %arg0, %mul3A : i32
    %add3A = arith.addi %mul3A_0, %arg1 : i32
    %broadcast_in_dim3A = arith.constant 1.000000e+00 : f32
    %broadcast_in_dim3A_1 = vector.broadcast %broadcast_in_dim3A : f32 to vector<16xf32>
    %swap3A = arith.constant 0 : index
    %swap3A_2 = tpu.vector_load %arg5[%swap3A] {strides = array<i32>} : memref<128xf32, #tpu.memory_space<vmem>>, vector<16xf32>,
    %swap3A_3 = vector.shape_cast %swap3A_2 : vector<16xf32> to vector<16xf32>
    %swap3A_4 = vector.shape_cast %broadcast_in_dim3A_1 : vector<16xf32> to vector<16xf32>
    tpu.vector_store %arg5[%swap3A], %swap3A_4 {strides = array<i32>} : memref<128xf32, #tpu.memory_space<vmem>>, vector<16xf32>,
    %broadcast_in_dim3A_5 = arith.constant 1.000000e+00 : f32
    %broadcast_in_dim3A_6 = vector.broadcast %broadcast_in_dim3A_5 : f32 to vector<16xf32>
    %swap3A_7 = arith.constant 16 : index
    %swap3A_8 = tpu.vector_load %arg5[%swap3A_7] {strides = array<i32>} : memref<128xf32, #tpu.memory_space<vmem>>, vector<16xf32>,
    %swap3A_9 = vector.shape_cast %swap3A_8 : vector<16xf32> to vector<16xf32>
    %swap3A_10 = vector.shape_cast %broadcast_in_dim3A_6 : vector<16xf32> to vector<16xf32>
    tpu.vector_store %arg5[%swap3A_7], %swap3A_10 {strides = array<i32>} : memref<128xf32, #tpu.memory_space<vmem>>, vector<16xf32>,
    %broadcast_in_dim3A_11 = arith.constant 1.000000e+00 : f32
    %broadcast_in_dim3A_12 = vector.broadcast %broadcast_in_dim3A_11 : f32 to vector<16xf32>
    %swap3A_13 = arith.constant 32 : index
    %swap3A_14 = tpu.vector_load %arg5[%swap3A_13] {strides = array<i32>} : memref<128xf32, #tpu.memory_space<vmem>>, vector<16xf32>,
    %swap3A_15 = vector.shape_cast %swap3A_14 : vector<16xf32> to vector<16xf32>
    %swap3A_16 = vector.shape_cast %broadcast_in_dim3A_12 : vector<16xf32> to vector<16xf32>
    tpu.vector_store %arg5[%swap3A_13], %swap3A_16 {strides = array<i32>} : memref<128xf32, #tpu.memory_space<vmem>>, vector<16xf32>,
    %broadcast_in_dim3A_17 = arith.constant 1.000000e+00 : f32
    %broadcast_in_dim3A_18 = vector.broadcast %broadcast_in_dim3A_17 : f32 to vector<16xf32>
    %swap3A_19 = arith.constant 48 : index
    %swap3A_20 = tpu.vector_load %arg5[%swap3A_19] {strides = array<i32>} : memref<128xf32, #tpu.memory_space<vmem>>, vector<16xf32>,
    %swap3A_21 = vector.shape_cast %swap3A_20 : vector<16xf32> to vector<16xf32>
    %swap3A_22 = vector.shape_cast %broadcast_in_dim3A_18 : vector<16xf32> to vector<16xf32>
    tpu.vector_store %arg5[%swap3A_19], %swap3A_22 {strides = array<i32>} : memref<128xf32, #tpu.memory_space<vmem>>, vector<16xf32>,
    %broadcast_in_dim3A_23 = arith.constant 1.000000e+00 : f32
    %broadcast_in_dim3A_24 = vector.broadcast %broadcast_in_dim3A_23 : f32 to vector<16xf32>
    %swap3A_25 = arith.constant 64 : index
    %swap3A_26 = tpu.vector_load %arg5[%swap3A_25] {strides = array<i32>} : memref<128xf32, #tpu.memory_space<vmem>>, vector<16xf32>,
    %swap3A_27 = vector.shape_cast %swap3A_26 : vector<16xf32> to vector<16xf32>
    %swap3A_28 = vector.shape_cast %broadcast_in_dim3A_24 : vector<16xf32> to vector<16xf32>
    tpu.vector_store %arg5[%swap3A_25], %swap3A_28 {strides = array<i32>} : memref<128xf32, #tpu.memory_space<vmem>>, vector<16xf32>,
    %broadcast_in_dim3A_29 = arith.constant 1.000000e+00 : f32
    %broadcast_in_dim3A_30 = vector.broadcast %broadcast_in_dim3A_29 : f32 to vector<16xf32>
    %swap3A_31 = arith.constant 80 : index
    %swap3A_32 = tpu.vector_load %arg5[%swap3A_31] {strides = array<i32>} : memref<128xf32, #tpu.memory_space<vmem>>, vector<16xf32>,
    %swap3A_33 = vector.shape_cast %swap3A_32 : vector<16xf32> to vector<16xf32>
    %swap3A_34 = vector.shape_cast %broadcast_in_dim3A_30 : vector<16xf32> to vector<16xf32>
    tpu.vector_store %arg5[%swap3A_31], %swap3A_34 {strides = array<i32>} : memref<128xf32, #tpu.memory_space<vmem>>, vector<16xf32>,
    %broadcast_in_dim3A_35 = arith.constant 1.000000e+00 : f32
    %broadcast_in_dim3A_36 = vector.broadcast %broadcast_in_dim3A_35 : f32 to vector<16xf32>
    %swap3A_37 = arith.constant 96 : index
    %swap3A_38 = tpu.vector_load %arg5[%swap3A_37] {strides = array<i32>} : memref<128xf32, #tpu.memory_space<vmem>>, vector<16xf32>,
    %swap3A_39 = vector.shape_cast %swap3A_38 : vector<16xf32> to vector<16xf32>
    %swap3A_40 = vector.shape_cast %broadcast_in_dim3A_36 : vector<16xf32> to vector<16xf32>
    tpu.vector_store %arg5[%swap3A_37], %swap3A_40 {strides = array<i32>} : memref<128xf32, #tpu.memory_space<vmem>>, vector<16xf32>,
    %broadcast_in_dim3A_41 = arith.constant 1.000000e+00 : f32
    %broadcast_in_dim3A_42 = vector.broadcast %broadcast_in_dim3A_41 : f32 to vector<16xf32>
    %swap3A_43 = arith.constant 112 : index
    %swap3A_44 = tpu.vector_load %arg5[%swap3A_43] {strides = array<i32>} : memref<128xf32, #tpu.memory_space<vmem>>, vector<16xf32>,
    %swap3A_45 = vector.shape_cast %swap3A_44 : vector<16xf32> to vector<16xf32>
    %swap3A_46 = vector.shape_cast %broadcast_in_dim3A_42 : vector<16xf32> to vector<16xf32>
    tpu.vector_store %arg5[%swap3A_43], %swap3A_46 {strides = array<i32>} : memref<128xf32, #tpu.memory_space<vmem>>, vector<16xf32>,
    %broadcast_in_dim3A_47 = arith.constant 0.000000e+00 : f32
    %broadcast_in_dim3A_48 = vector.broadcast %broadcast_in_dim3A_47 : f32 to vector<16xf32>
    %swap3A_49 = arith.constant 0 : index
    %swap3A_50 = tpu.vector_load %arg6[%swap3A_49] {strides = array<i32>} : memref<640xf32, #tpu.memory_space<vmem>>, vector<16xf32>,
    %swap3A_51 = vector.shape_cast %swap3A_50 : vector<16xf32> to vector<16xf32>
    %swap3A_52 = vector.shape_cast %broadcast_in_dim3A_48 : vector<16xf32> to vector<16xf32>
    tpu.vector_store %arg6[%swap3A_49], %swap3A_52 {strides = array<i32>} : memref<640xf32, #tpu.memory_space<vmem>>, vector<16xf32>,
    %broadcast_in_dim3A_53 = arith.constant 0.000000e+00 : f32
    %broadcast_in_dim3A_54 = vector.broadcast %broadcast_in_dim3A_53 : f32 to vector<16xf32>
    %swap3A_55 = arith.constant 16 : index
    %swap3A_56 = tpu.vector_load %arg6[%swap3A_55] {strides = array<i32>} : memref<640xf32, #tpu.memory_space<vmem>>, vector<16xf32>,
    %swap3A_57 = vector.shape_cast %swap3A_56 : vector<16xf32> to vector<16xf32>
    %swap3A_58 = vector.shape_cast %broadcast_in_dim3A_54 : vector<16xf32> to vector<16xf32>
    tpu.vector_store %arg6[%swap3A_55], %swap3A_58 {strides = array<i32>} : memref<640xf32, #tpu.memory_space<vmem>>, vector<16xf32>,
    %broadcast_in_dim3A_59 = arith.constant 0.000000e+00 : f32
    %broadcast_in_dim3A_60 = vector.broadcast %broadcast_in_dim3A_59 : f32 to vector<16xf32>
    %swap3A_61 = arith.constant 32 : index
    %swap3A_62 = tpu.vector_load %arg6[%swap3A_61] {strides = array<i32>} : memref<640xf32, #tpu.memory_space<vmem>>, vector<16xf32>,
    %swap3A_63 = vector.shape_cast %swap3A_62 : vector<16xf32> to vector<16xf32>
    %swap3A_64 = vector.shape_cast %broadcast_in_dim3A_60 : vector<16xf32> to vector<16xf32>
    tpu.vector_store %arg6[%swap3A_61], %swap3A_64 {strides = array<i32>} : memref<640xf32, #tpu.memory_space<vmem>>, vector<16xf32>,
    %broadcast_in_dim3A_65 = arith.constant 0.000000e+00 : f32
    %broadcast_in_dim3A_66 = vector.broadcast %broadcast_in_dim3A_65 : f32 to vector<16xf32>
    %swap3A_67 = arith.constant 48 : index
    %swap3A_68 = tpu.vector_load %arg6[%swap3A_67] {strides = array<i32>} : memref<640xf32, #tpu.memory_space<vmem>>, vector<16xf32>,
    %swap3A_69 = vector.shape_cast %swap3A_68 : vector<16xf32> to vector<16xf32>
    %swap3A_70 = vector.shape_cast %broadcast_in_dim3A_66 : vector<16xf32> to vector<16xf32>
    tpu.vector_store %arg6[%swap3A_67], %swap3A_70 {strides = array<i32>} : memref<640xf32, #tpu.memory_space<vmem>>, vector<16xf32>,
    %broadcast_in_dim3A_71 = arith.constant 0.000000e+00 : f32
    %broadcast_in_dim3A_72 = vector.broadcast %broadcast_in_dim3A_71 : f32 to vector<16xf32>
    %swap3A_73 = arith.constant 64 : index
    %swap3A_74 = tpu.vector_load %arg6[%swap3A_73] {strides = array<i32>} : memref<640xf32, #tpu.memory_space<vmem>>, vector<16xf32>,
    %swap3A_75 = vector.shape_cast %swap3A_74 : vector<16xf32> to vector<16xf32>
    %swap3A_76 = vector.shape_cast %broadcast_in_dim3A_72 : vector<16xf32> to vector<16xf32>
    tpu.vector_store %arg6[%swap3A_73], %swap3A_76 {strides = array<i32>} : memref<640xf32, #tpu.memory_space<vmem>>, vector<16xf32>,
    %broadcast_in_dim3A_77 = arith.constant 0.000000e+00 : f32
    %broadcast_in_dim3A_78 = vector.broadcast %broadcast_in_dim3A_77 : f32 to vector<16xf32>
    %swap3A_79 = arith.constant 80 : index
    %swap3A_80 = tpu.vector_load %arg6[%swap3A_79] {strides = array<i32>} : memref<640xf32, #tpu.memory_space<vmem>>, vector<16xf32>,
    %swap3A_81 = vector.shape_cast %swap3A_80 : vector<16xf32> to vector<16xf32>
    %swap3A_82 = vector.shape_cast %broadcast_in_dim3A_78 : vector<16xf32> to vector<16xf32>
    tpu.vector_store %arg6[%swap3A_79], %swap3A_82 {strides = array<i32>} : memref<640xf32, #tpu.memory_space<vmem>>, vector<16xf32>,
    %broadcast_in_dim3A_83 = arith.constant 0.000000e+00 : f32
    %broadcast_in_dim3A_84 = vector.broadcast %broadcast_in_dim3A_83 : f32 to vector<16xf32>
    %swap3A_85 = arith.constant 96 : index
    %swap3A_86 = tpu.vector_load %arg6[%swap3A_85] {strides = array<i32>} : memref<640xf32, #tpu.memory_space<vmem>>, vector<16xf32>,
    %swap3A_87 = vector.shape_cast %swap3A_86 : vector<16xf32> to vector<16xf32>
    %swap3A_88 = vector.shape_cast %broadcast_in_dim3A_84 : vector<16xf32> to vector<16xf32>
    tpu.vector_store %arg6[%swap3A_85], %swap3A_88 {strides = array<i32>} : memref<640xf32, #tpu.memory_space<vmem>>, vector<16xf32>,
    %broadcast_in_dim3A_89 = arith.constant 0.000000e+00 : f32
    %broadcast_in_dim3A_90 = vector.broadcast %broadcast_in_dim3A_89 : f32 to vector<16xf32>
    %swap3A_91 = arith.constant 112 : index
    %swap3A_92 = tpu.vector_load %arg6[%swap3A_91] {strides = array<i32>} : memref<640xf32, #tpu.memory_space<vmem>>, vector<16xf32>,
    %swap3A_93 = vector.shape_cast %swap3A_92 : vector<16xf32> to vector<16xf32>
    %swap3A_94 = vector.shape_cast %broadcast_in_dim3A_90 : vector<16xf32> to vector<16xf32>
    tpu.vector_store %arg6[%swap3A_91], %swap3A_94 {strides = array<i32>} : memref<640xf32, #tpu.memory_space<vmem>>, vector<16xf32>,
    %broadcast_in_dim3A_95 = arith.constant 0.000000e+00 : f32
    %broadcast_in_dim3A_96 = vector.broadcast %broadcast_in_dim3A_95 : f32 to vector<16xf32>
    %swap3A_97 = arith.constant 128 : index
    %swap3A_98 = tpu.vector_load %arg6[%swap3A_97] {strides = array<i32>} : memref<640xf32, #tpu.memory_space<vmem>>, vector<16xf32>,
    %swap3A_99 = vector.shape_cast %swap3A_98 : vector<16xf32> to vector<16xf32>
    %swap3A_100 = vector.shape_cast %broadcast_in_dim3A_96 : vector<16xf32> to vector<16xf32>
    tpu.vector_store %arg6[%swap3A_97], %swap3A_100 {strides = array<i32>} : memref<640xf32, #tpu.memory_space<vmem>>, vector<16xf32>,
    %broadcast_in_dim3A_101 = arith.constant 0.000000e+00 : f32
    %broadcast_in_dim3A_102 = vector.broadcast %broadcast_in_dim3A_101 : f32 to vector<16xf32>
    %swap3A_103 = arith.constant 144 : index
    %swap3A_104 = tpu.vector_load %arg6[%swap3A_103] {strides = array<i32>} : memref<640xf32, #tpu.memory_space<vmem>>, vector<16xf32>,
    %swap3A_105 = vector.shape_cast %swap3A_104 : vector<16xf32> to vector<16xf32>
    %swap3A_106 = vector.shape_cast %broadcast_in_dim3A_102 : vector<16xf32> to vector<16xf32>
    tpu.vector_store %arg6[%swap3A_103], %swap3A_106 {strides = array<i32>} : memref<640xf32, #tpu.memory_space<vmem>>, vector<16xf32>,
    %broadcast_in_dim3A_107 = arith.constant 0.000000e+00 : f32
    %broadcast_in_dim3A_108 = vector.broadcast %broadcast_in_dim3A_107 : f32 to vector<16xf32>
    %swap3A_109 = arith.constant 160 : index
    %swap3A_110 = tpu.vector_load %arg6[%swap3A_109] {strides = array<i32>} : memref<640xf32, #tpu.memory_space<vmem>>, vector<16xf32>,
    %swap3A_111 = vector.shape_cast %swap3A_110 : vector<16xf32> to vector<16xf32>
    %swap3A_112 = vector.shape_cast %broadcast_in_dim3A_108 : vector<16xf32> to vector<16xf32>
    tpu.vector_store %arg6[%swap3A_109], %swap3A_112 {strides = array<i32>} : memref<640xf32, #tpu.memory_space<vmem>>, vector<16xf32>,
    %broadcast_in_dim3A_113 = arith.constant 0.000000e+00 : f32
    %broadcast_in_dim3A_114 = vector.broadcast %broadcast_in_dim3A_113 : f32 to vector<16xf32>
    %swap3A_115 = arith.constant 176 : index
    %swap3A_116 = tpu.vector_load %arg6[%swap3A_115] {strides = array<i32>} : memref<640xf32, #tpu.memory_space<vmem>>, vector<16xf32>,
    %swap3A_117 = vector.shape_cast %swap3A_116 : vector<16xf32> to vector<16xf32>
    %swap3A_118 = vector.shape_cast %broadcast_in_dim3A_114 : vector<16xf32> to vector<16xf32>
    tpu.vector_store %arg6[%swap3A_115], %swap3A_118 {strides = array<i32>} : memref<640xf32, #tpu.memory_space<vmem>>, vector<16xf32>,
    %broadcast_in_dim3A_119 = arith.constant 0.000000e+00 : f32
    %broadcast_in_dim3A_120 = vector.broadcast %broadcast_in_dim3A_119 : f32 to vector<16xf32>
    %swap3A_121 = arith.constant 192 : index
    %swap3A_122 = tpu.vector_load %arg6[%swap3A_121] {strides = array<i32>} : memref<640xf32, #tpu.memory_space<vmem>>, vector<16xf32>,
    %swap3A_123 = vector.shape_cast %swap3A_122 : vector<16xf32> to vector<16xf32>
    %swap3A_124 = vector.shape_cast %broadcast_in_dim3A_120 : vector<16xf32> to vector<16xf32>
    tpu.vector_store %arg6[%swap3A_121], %swap3A_124 {strides = array<i32>} : memref<640xf32, #tpu.memory_space<vmem>>, vector<16xf32>,
    %broadcast_in_dim3A_125 = arith.constant 0.000000e+00 : f32
    %broadcast_in_dim3A_126 = vector.broadcast %broadcast_in_dim3A_125 : f32 to vector<16xf32>
    %swap3A_127 = arith.constant 208 : index
    %swap3A_128 = tpu.vector_load %arg6[%swap3A_127] {strides = array<i32>} : memref<640xf32, #tpu.memory_space<vmem>>, vector<16xf32>,
    %swap3A_129 = vector.shape_cast %swap3A_128 : vector<16xf32> to vector<16xf32>
    %swap3A_130 = vector.shape_cast %broadcast_in_dim3A_126 : vector<16xf32> to vector<16xf32>
    tpu.vector_store %arg6[%swap3A_127], %swap3A_130 {strides = array<i32>} : memref<640xf32, #tpu.memory_space<vmem>>, vector<16xf32>,
    %broadcast_in_dim3A_131 = arith.constant 0.000000e+00 : f32
    %broadcast_in_dim3A_132 = vector.broadcast %broadcast_in_dim3A_131 : f32 to vector<16xf32>
    %swap3A_133 = arith.constant 224 : index
    %swap3A_134 = tpu.vector_load %arg6[%swap3A_133] {strides = array<i32>} : memref<640xf32, #tpu.memory_space<vmem>>, vector<16xf32>,
    %swap3A_135 = vector.shape_cast %swap3A_134 : vector<16xf32> to vector<16xf32>
    %swap3A_136 = vector.shape_cast %broadcast_in_dim3A_132 : vector<16xf32> to vector<16xf32>
    tpu.vector_store %arg6[%swap3A_133], %swap3A_136 {strides = array<i32>} : memref<640xf32, #tpu.memory_space<vmem>>, vector<16xf32>,
    %broadcast_in_dim3A_137 = arith.constant 0.000000e+00 : f32
    %broadcast_in_dim3A_138 = vector.broadcast %broadcast_in_dim3A_137 : f32 to vector<16xf32>
    %swap3A_139 = arith.constant 240 : index
    %swap3A_140 = tpu.vector_load %arg6[%swap3A_139] {strides = array<i32>} : memref<640xf32, #tpu.memory_space<vmem>>, vector<16xf32>,
    %swap3A_141 = vector.shape_cast %swap3A_140 : vector<16xf32> to vector<16xf32>
    %swap3A_142 = vector.shape_cast %broadcast_in_dim3A_138 : vector<16xf32> to vector<16xf32>
    tpu.vector_store %arg6[%swap3A_139], %swap3A_142 {strides = array<i32>} : memref<640xf32, #tpu.memory_space<vmem>>, vector<16xf32>,
    %broadcast_in_dim3A_143 = arith.constant 0.000000e+00 : f32
    %broadcast_in_dim3A_144 = vector.broadcast %broadcast_in_dim3A_143 : f32 to vector<16xf32>
    %swap3A_145 = arith.constant 256 : index
    %swap3A_146 = tpu.vector_load %arg6[%swap3A_145] {strides = array<i32>} : memref<640xf32, #tpu.memory_space<vmem>>, vector<16xf32>,
    %swap3A_147 = vector.shape_cast %swap3A_146 : vector<16xf32> to vector<16xf32>
    %swap3A_148 = vector.shape_cast %broadcast_in_dim3A_144 : vector<16xf32> to vector<16xf32>
    tpu.vector_store %arg6[%swap3A_145], %swap3A_148 {strides = array<i32>} : memref<640xf32, #tpu.memory_space<vmem>>, vector<16xf32>,
    %broadcast_in_dim3A_149 = arith.constant 0.000000e+00 : f32
    %broadcast_in_dim3A_150 = vector.broadcast %broadcast_in_dim3A_149 : f32 to vector<16xf32>
    %swap3A_151 = arith.constant 272 : index
    %swap3A_152 = tpu.vector_load %arg6[%swap3A_151] {strides = array<i32>} : memref<640xf32, #tpu.memory_space<vmem>>, vector<16xf32>,
    %swap3A_153 = vector.shape_cast %swap3A_152 : vector<16xf32> to vector<16xf32>
    %swap3A_154 = vector.shape_cast %broadcast_in_dim3A_150 : vector<16xf32> to vector<16xf32>
    tpu.vector_store %arg6[%swap3A_151], %swap3A_154 {strides = array<i32>} : memref<640xf32, #tpu.memory_space<vmem>>, vector<16xf32>,
    %broadcast_in_dim3A_155 = arith.constant 0.000000e+00 : f32
    %broadcast_in_dim3A_156 = vector.broadcast %broadcast_in_dim3A_155 : f32 to vector<16xf32>
    %swap3A_157 = arith.constant 288 : index
    %swap3A_158 = tpu.vector_load %arg6[%swap3A_157] {strides = array<i32>} : memref<640xf32, #tpu.memory_space<vmem>>, vector<16xf32>,
    %swap3A_159 = vector.shape_cast %swap3A_158 : vector<16xf32> to vector<16xf32>
    %swap3A_160 = vector.shape_cast %broadcast_in_dim3A_156 : vector<16xf32> to vector<16xf32>
    tpu.vector_store %arg6[%swap3A_157], %swap3A_160 {strides = array<i32>} : memref<640xf32, #tpu.memory_space<vmem>>, vector<16xf32>,
    %broadcast_in_dim3A_161 = arith.constant 0.000000e+00 : f32
    %broadcast_in_dim3A_162 = vector.broadcast %broadcast_in_dim3A_161 : f32 to vector<16xf32>
    %swap3A_163 = arith.constant 304 : index
    %swap3A_164 = tpu.vector_load %arg6[%swap3A_163] {strides = array<i32>} : memref<640xf32, #tpu.memory_space<vmem>>, vector<16xf32>,
    %swap3A_165 = vector.shape_cast %swap3A_164 : vector<16xf32> to vector<16xf32>
    %swap3A_166 = vector.shape_cast %broadcast_in_dim3A_162 : vector<16xf32> to vector<16xf32>
    tpu.vector_store %arg6[%swap3A_163], %swap3A_166 {strides = array<i32>} : memref<640xf32, #tpu.memory_space<vmem>>, vector<16xf32>,
    %broadcast_in_dim3A_167 = arith.constant 0.000000e+00 : f32
    %broadcast_in_dim3A_168 = vector.broadcast %broadcast_in_dim3A_167 : f32 to vector<16xf32>
    %swap3A_169 = arith.constant 320 : index
    %swap3A_170 = tpu.vector_load %arg6[%swap3A_169] {strides = array<i32>} : memref<640xf32, #tpu.memory_space<vmem>>, vector<16xf32>,
    %swap3A_171 = vector.shape_cast %swap3A_170 : vector<16xf32> to vector<16xf32>
    %swap3A_172 = vector.shape_cast %broadcast_in_dim3A_168 : vector<16xf32> to vector<16xf32>
    tpu.vector_store %arg6[%swap3A_169], %swap3A_172 {strides = array<i32>} : memref<640xf32, #tpu.memory_space<vmem>>, vector<16xf32>,
    %broadcast_in_dim3A_173 = arith.constant 0.000000e+00 : f32
    %broadcast_in_dim3A_174 = vector.broadcast %broadcast_in_dim3A_173 : f32 to vector<16xf32>
    %swap3A_175 = arith.constant 336 : index
    %swap3A_176 = tpu.vector_load %arg6[%swap3A_175] {strides = array<i32>} : memref<640xf32, #tpu.memory_space<vmem>>, vector<16xf32>,
    %swap3A_177 = vector.shape_cast %swap3A_176 : vector<16xf32> to vector<16xf32>
    %swap3A_178 = vector.shape_cast %broadcast_in_dim3A_174 : vector<16xf32> to vector<16xf32>
    tpu.vector_store %arg6[%swap3A_175], %swap3A_178 {strides = array<i32>} : memref<640xf32, #tpu.memory_space<vmem>>, vector<16xf32>,
    %broadcast_in_dim3A_179 = arith.constant 0.000000e+00 : f32
    %broadcast_in_dim3A_180 = vector.broadcast %broadcast_in_dim3A_179 : f32 to vector<16xf32>
    %swap3A_181 = arith.constant 352 : index
    %swap3A_182 = tpu.vector_load %arg6[%swap3A_181] {strides = array<i32>} : memref<640xf32, #tpu.memory_space<vmem>>, vector<16xf32>,
    %swap3A_183 = vector.shape_cast %swap3A_182 : vector<16xf32> to vector<16xf32>
    %swap3A_184 = vector.shape_cast %broadcast_in_dim3A_180 : vector<16xf32> to vector<16xf32>
    tpu.vector_store %arg6[%swap3A_181], %swap3A_184 {strides = array<i32>} : memref<640xf32, #tpu.memory_space<vmem>>, vector<16xf32>,
    %broadcast_in_dim3A_185 = arith.constant 0.000000e+00 : f32
    %broadcast_in_dim3A_186 = vector.broadcast %broadcast_in_dim3A_185 : f32 to vector<16xf32>
    %swap3A_187 = arith.constant 368 : index
    %swap3A_188 = tpu.vector_load %arg6[%swap3A_187] {strides = array<i32>} : memref<640xf32, #tpu.memory_space<vmem>>, vector<16xf32>,
    %swap3A_189 = vector.shape_cast %swap3A_188 : vector<16xf32> to vector<16xf32>
    %swap3A_190 = vector.shape_cast %broadcast_in_dim3A_186 : vector<16xf32> to vector<16xf32>
    tpu.vector_store %arg6[%swap3A_187], %swap3A_190 {strides = array<i32>} : memref<640xf32, #tpu.memory_space<vmem>>, vector<16xf32>,
    %broadcast_in_dim3A_191 = arith.constant 0.000000e+00 : f32
    %broadcast_in_dim3A_192 = vector.broadcast %broadcast_in_dim3A_191 : f32 to vector<16xf32>
    %swap3A_193 = arith.constant 384 : index
    %swap3A_194 = tpu.vector_load %arg6[%swap3A_193] {strides = array<i32>} : memref<640xf32, #tpu.memory_space<vmem>>, vector<16xf32>,
    %swap3A_195 = vector.shape_cast %swap3A_194 : vector<16xf32> to vector<16xf32>
    %swap3A_196 = vector.shape_cast %broadcast_in_dim3A_192 : vector<16xf32> to vector<16xf32>
    tpu.vector_store %arg6[%swap3A_193], %swap3A_196 {strides = array<i32>} : memref<640xf32, #tpu.memory_space<vmem>>, vector<16xf32>,
    %broadcast_in_dim3A_197 = arith.constant 0.000000e+00 : f32
    %broadcast_in_dim3A_198 = vector.broadcast %broadcast_in_dim3A_197 : f32 to vector<16xf32>
    %swap3A_199 = arith.constant 400 : index
    %swap3A_200 = tpu.vector_load %arg6[%swap3A_199] {strides = array<i32>} : memref<640xf32, #tpu.memory_space<vmem>>, vector<16xf32>,
    %swap3A_201 = vector.shape_cast %swap3A_200 : vector<16xf32> to vector<16xf32>
    %swap3A_202 = vector.shape_cast %broadcast_in_dim3A_198 : vector<16xf32> to vector<16xf32>
    tpu.vector_store %arg6[%swap3A_199], %swap3A_202 {strides = array<i32>} : memref<640xf32, #tpu.memory_space<vmem>>, vector<16xf32>,
    %broadcast_in_dim3A_203 = arith.constant 0.000000e+00 : f32
    %broadcast_in_dim3A_204 = vector.broadcast %broadcast_in_dim3A_203 : f32 to vector<16xf32>
    %swap3A_205 = arith.constant 416 : index
    %swap3A_206 = tpu.vector_load %arg6[%swap3A_205] {strides = array<i32>} : memref<640xf32, #tpu.memory_space<vmem>>, vector<16xf32>,
    %swap3A_207 = vector.shape_cast %swap3A_206 : vector<16xf32> to vector<16xf32>
    %swap3A_208 = vector.shape_cast %broadcast_in_dim3A_204 : vector<16xf32> to vector<16xf32>
    tpu.vector_store %arg6[%swap3A_205], %swap3A_208 {strides = array<i32>} : memref<640xf32, #tpu.memory_space<vmem>>, vector<16xf32>,
    %broadcast_in_dim3A_209 = arith.constant 0.000000e+00 : f32
    %broadcast_in_dim3A_210 = vector.broadcast %broadcast_in_dim3A_209 : f32 to vector<16xf32>
    %swap3A_211 = arith.constant 432 : index
    %swap3A_212 = tpu.vector_load %arg6[%swap3A_211] {strides = array<i32>} : memref<640xf32, #tpu.memory_space<vmem>>, vector<16xf32>,
    %swap3A_213 = vector.shape_cast %swap3A_212 : vector<16xf32> to vector<16xf32>
    %swap3A_214 = vector.shape_cast %broadcast_in_dim3A_210 : vector<16xf32> to vector<16xf32>
    tpu.vector_store %arg6[%swap3A_211], %swap3A_214 {strides = array<i32>} : memref<640xf32, #tpu.memory_space<vmem>>, vector<16xf32>,
    %broadcast_in_dim3A_215 = arith.constant 0.000000e+00 : f32
    %broadcast_in_dim3A_216 = vector.broadcast %broadcast_in_dim3A_215 : f32 to vector<16xf32>
    %swap3A_217 = arith.constant 448 : index
    %swap3A_218 = tpu.vector_load %arg6[%swap3A_217] {strides = array<i32>} : memref<640xf32, #tpu.memory_space<vmem>>, vector<16xf32>,
    %swap3A_219 = vector.shape_cast %swap3A_218 : vector<16xf32> to vector<16xf32>
    %swap3A_220 = vector.shape_cast %broadcast_in_dim3A_216 : vector<16xf32> to vector<16xf32>
    tpu.vector_store %arg6[%swap3A_217], %swap3A_220 {strides = array<i32>} : memref<640xf32, #tpu.memory_space<vmem>>, vector<16xf32>,
    %broadcast_in_dim3A_221 = arith.constant 0.000000e+00 : f32
    %broadcast_in_dim3A_222 = vector.broadcast %broadcast_in_dim3A_221 : f32 to vector<16xf32>
    %swap3A_223 = arith.constant 464 : index
    %swap3A_224 = tpu.vector_load %arg6[%swap3A_223] {strides = array<i32>} : memref<640xf32, #tpu.memory_space<vmem>>, vector<16xf32>,
    %swap3A_225 = vector.shape_cast %swap3A_224 : vector<16xf32> to vector<16xf32>
    %swap3A_226 = vector.shape_cast %broadcast_in_dim3A_222 : vector<16xf32> to vector<16xf32>
    tpu.vector_store %arg6[%swap3A_223], %swap3A_226 {strides = array<i32>} : memref<640xf32, #tpu.memory_space<vmem>>, vector<16xf32>,
    %broadcast_in_dim3A_227 = arith.constant 0.000000e+00 : f32
    %broadcast_in_dim3A_228 = vector.broadcast %broadcast_in_dim3A_227 : f32 to vector<16xf32>
    %swap3A_229 = arith.constant 480 : index
    %swap3A_230 = tpu.vector_load %arg6[%swap3A_229] {strides = array<i32>} : memref<640xf32, #tpu.memory_space<vmem>>, vector<16xf32>,
    %swap3A_231 = vector.shape_cast %swap3A_230 : vector<16xf32> to vector<16xf32>
    %swap3A_232 = vector.shape_cast %broadcast_in_dim3A_228 : vector<16xf32> to vector<16xf32>
    tpu.vector_store %arg6[%swap3A_229], %swap3A_232 {strides = array<i32>} : memref<640xf32, #tpu.memory_space<vmem>>, vector<16xf32>,
    %broadcast_in_dim3A_233 = arith.constant 0.000000e+00 : f32
    %broadcast_in_dim3A_234 = vector.broadcast %broadcast_in_dim3A_233 : f32 to vector<16xf32>
    %swap3A_235 = arith.constant 496 : index
    %swap3A_236 = tpu.vector_load %arg6[%swap3A_235] {strides = array<i32>} : memref<640xf32, #tpu.memory_space<vmem>>, vector<16xf32>,
    %swap3A_237 = vector.shape_cast %swap3A_236 : vector<16xf32> to vector<16xf32>
    %swap3A_238 = vector.shape_cast %broadcast_in_dim3A_234 : vector<16xf32> to vector<16xf32>
    tpu.vector_store %arg6[%swap3A_235], %swap3A_238 {strides = array<i32>} : memref<640xf32, #tpu.memory_space<vmem>>, vector<16xf32>,
    %broadcast_in_dim3A_239 = arith.constant 0.000000e+00 : f32
    %broadcast_in_dim3A_240 = vector.broadcast %broadcast_in_dim3A_239 : f32 to vector<16xf32>
    %swap3A_241 = arith.constant 512 : index
    %swap3A_242 = tpu.vector_load %arg6[%swap3A_241] {strides = array<i32>} : memref<640xf32, #tpu.memory_space<vmem>>, vector<16xf32>,
    %swap3A_243 = vector.shape_cast %swap3A_242 : vector<16xf32> to vector<16xf32>
    %swap3A_244 = vector.shape_cast %broadcast_in_dim3A_240 : vector<16xf32> to vector<16xf32>
    tpu.vector_store %arg6[%swap3A_241], %swap3A_244 {strides = array<i32>} : memref<640xf32, #tpu.memory_space<vmem>>, vector<16xf32>,
    %broadcast_in_dim3A_245 = arith.constant 0.000000e+00 : f32
    %broadcast_in_dim3A_246 = vector.broadcast %broadcast_in_dim3A_245 : f32 to vector<16xf32>
    %swap3A_247 = arith.constant 528 : index
    %swap3A_248 = tpu.vector_load %arg6[%swap3A_247] {strides = array<i32>} : memref<640xf32, #tpu.memory_space<vmem>>, vector<16xf32>,
    %swap3A_249 = vector.shape_cast %swap3A_248 : vector<16xf32> to vector<16xf32>
    %swap3A_250 = vector.shape_cast %broadcast_in_dim3A_246 : vector<16xf32> to vector<16xf32>
    tpu.vector_store %arg6[%swap3A_247], %swap3A_250 {strides = array<i32>} : memref<640xf32, #tpu.memory_space<vmem>>, vector<16xf32>,
    %broadcast_in_dim3A_251 = arith.constant 0.000000e+00 : f32
    %broadcast_in_dim3A_252 = vector.broadcast %broadcast_in_dim3A_251 : f32 to vector<16xf32>
    %swap3A_253 = arith.constant 544 : index
    %swap3A_254 = tpu.vector_load %arg6[%swap3A_253] {strides = array<i32>} : memref<640xf32, #tpu.memory_space<vmem>>, vector<16xf32>,
    %swap3A_255 = vector.shape_cast %swap3A_254 : vector<16xf32> to vector<16xf32>
    %swap3A_256 = vector.shape_cast %broadcast_in_dim3A_252 : vector<16xf32> to vector<16xf32>
    tpu.vector_store %arg6[%swap3A_253], %swap3A_256 {strides = array<i32>} : memref<640xf32, #tpu.memory_space<vmem>>, vector<16xf32>,
    %broadcast_in_dim3A_257 = arith.constant 0.000000e+00 : f32
    %broadcast_in_dim3A_258 = vector.broadcast %broadcast_in_dim3A_257 : f32 to vector<16xf32>
    %swap3A_259 = arith.constant 560 : index
    %swap3A_260 = tpu.vector_load %arg6[%swap3A_259] {strides = array<i32>} : memref<640xf32, #tpu.memory_space<vmem>>, vector<16xf32>,
    %swap3A_261 = vector.shape_cast %swap3A_260 : vector<16xf32> to vector<16xf32>
    %swap3A_262 = vector.shape_cast %broadcast_in_dim3A_258 : vector<16xf32> to vector<16xf32>
    tpu.vector_store %arg6[%swap3A_259], %swap3A_262 {strides = array<i32>} : memref<640xf32, #tpu.memory_space<vmem>>, vector<16xf32>,
    %broadcast_in_dim3A_263 = arith.constant 0.000000e+00 : f32
    %broadcast_in_dim3A_264 = vector.broadcast %broadcast_in_dim3A_263 : f32 to vector<16xf32>
    %swap3A_265 = arith.constant 576 : index
    %swap3A_266 = tpu.vector_load %arg6[%swap3A_265] {strides = array<i32>} : memref<640xf32, #tpu.memory_space<vmem>>, vector<16xf32>,
    %swap3A_267 = vector.shape_cast %swap3A_266 : vector<16xf32> to vector<16xf32>
    %swap3A_268 = vector.shape_cast %broadcast_in_dim3A_264 : vector<16xf32> to vector<16xf32>
    tpu.vector_store %arg6[%swap3A_265], %swap3A_268 {strides = array<i32>} : memref<640xf32, #tpu.memory_space<vmem>>, vector<16xf32>,
    %broadcast_in_dim3A_269 = arith.constant 0.000000e+00 : f32
    %broadcast_in_dim3A_270 = vector.broadcast %broadcast_in_dim3A_269 : f32 to vector<16xf32>
    %swap3A_271 = arith.constant 592 : index
    %swap3A_272 = tpu.vector_load %arg6[%swap3A_271] {strides = array<i32>} : memref<640xf32, #tpu.memory_space<vmem>>, vector<16xf32>,
    %swap3A_273 = vector.shape_cast %swap3A_272 : vector<16xf32> to vector<16xf32>
    %swap3A_274 = vector.shape_cast %broadcast_in_dim3A_270 : vector<16xf32> to vector<16xf32>
    tpu.vector_store %arg6[%swap3A_271], %swap3A_274 {strides = array<i32>} : memref<640xf32, #tpu.memory_space<vmem>>, vector<16xf32>,
    %broadcast_in_dim3A_275 = arith.constant 0.000000e+00 : f32
    %broadcast_in_dim3A_276 = vector.broadcast %broadcast_in_dim3A_275 : f32 to vector<16xf32>
    %swap3A_277 = arith.constant 608 : index
    %swap3A_278 = tpu.vector_load %arg6[%swap3A_277] {strides = array<i32>} : memref<640xf32, #tpu.memory_space<vmem>>, vector<16xf32>,
    %swap3A_279 = vector.shape_cast %swap3A_278 : vector<16xf32> to vector<16xf32>
    %swap3A_280 = vector.shape_cast %broadcast_in_dim3A_276 : vector<16xf32> to vector<16xf32>
    tpu.vector_store %arg6[%swap3A_277], %swap3A_280 {strides = array<i32>} : memref<640xf32, #tpu.memory_space<vmem>>, vector<16xf32>,
    %broadcast_in_dim3A_281 = arith.constant 0.000000e+00 : f32
    %broadcast_in_dim3A_282 = vector.broadcast %broadcast_in_dim3A_281 : f32 to vector<16xf32>
    %swap3A_283 = arith.constant 624 : index
    %swap3A_284 = tpu.vector_load %arg6[%swap3A_283] {strides = array<i32>} : memref<640xf32, #tpu.memory_space<vmem>>, vector<16xf32>,
    %swap3A_285 = vector.shape_cast %swap3A_284 : vector<16xf32> to vector<16xf32>
    %swap3A_286 = vector.shape_cast %broadcast_in_dim3A_282 : vector<16xf32> to vector<16xf32>
    tpu.vector_store %arg6[%swap3A_283], %swap3A_286 {strides = array<i32>} : memref<640xf32, #tpu.memory_space<vmem>>, vector<16xf32>,
    %mul3A_287 = arith.constant 640 : i32
    %mul3A_288 = arith.muli %arg1, %mul3A_287 : i32
    "tpu.region"() ({
      %run_scoped3A = tpu.sem_alloc : memref<!tpu.dma_semaphore, #tpu.memory_space<semaphore_mem>>
      %dma_start3A = tpu.memref_slice %arg7[%mul3A_288] : memref<10240xf32, #tpu.memory_space<vmem_shared>> -> memref<640xf32, #tpu.memory_space<vmem_shared>>
      %dma_start3A_299 = tpu.memref_slice %arg7[%mul3A_288] : memref<10240xf32, #tpu.memory_space<vmem_shared>> -> memref<640xf32, #tpu.memory_space<vmem_shared>>
      tpu.enqueue_dma source(%arg6 : memref<640xf32, #tpu.memory_space<vmem>>) target(%dma_start3A_299 : memref<640xf32, #tpu.memory_space<vmem_shared>>) target_semaphore(%run_scoped3A : memref<!tpu.dma_semaphore, #tpu.memory_space<semaphore_mem>>)
      %dma_wait3A = tpu.memref_slice %arg7[%mul3A_288] : memref<10240xf32, #tpu.memory_space<vmem_shared>> -> memref<640xf32, #tpu.memory_space<vmem_shared>>
      %dma_wait3A_300 = tpu.memref_slice %arg7[%mul3A_288] : memref<10240xf32, #tpu.memory_space<vmem_shared>> -> memref<640xf32, #tpu.memory_space<vmem_shared>>
      tpu.wait_dma2 semaphore(%run_scoped3A : memref<!tpu.dma_semaphore, #tpu.memory_space<semaphore_mem>>) src(%arg6 : memref<640xf32, #tpu.memory_space<vmem>>) dst(%dma_wait3A_300 : memref<640xf32, #tpu.memory_space<vmem_shared>>)
      tpu.yield
    }) : () -> ()
    "tpu.region"() ({
      %run_scoped3A = tpu.sem_alloc : memref<!tpu.dma_semaphore, #tpu.memory_space<semaphore_mem>>
      %dma_start3A = arith.constant 0 : i32
      %dma_start3A_299 = arith.constant 0 : i32
      %dma_start3A_300 = tpu.memref_slice %arg2[%add3A, %dma_start3A, %dma_start3A_299] : memref<32x81x128xi32, #tpu.memory_space<hbm>> -> memref<1x81x128xi32, #tpu.memory_space<hbm>>
      %dma_start3A_301 = tpu.memref_squeeze %dma_start3A_300 : memref<1x81x128xi32, #tpu.memory_space<hbm>> -> memref<81x128xi32, #tpu.memory_space<hbm>>
      %dma_start3A_302 = arith.constant 0 : i32
      %dma_start3A_303 = arith.constant 0 : i32
      %dma_start3A_304 = tpu.memref_slice %arg2[%add3A, %dma_start3A_302, %dma_start3A_303] : memref<32x81x128xi32, #tpu.memory_space<hbm>> -> memref<1x81x128xi32, #tpu.memory_space<hbm>>
      %dma_start3A_305 = tpu.memref_squeeze %dma_start3A_304 : memref<1x81x128xi32, #tpu.memory_space<hbm>> -> memref<81x128xi32, #tpu.memory_space<hbm>>
      tpu.enqueue_dma source(%dma_start3A_305 : memref<81x128xi32, #tpu.memory_space<hbm>>) target(%arg4 : memref<81x128xi32, #tpu.memory_space<vmem>>) target_semaphore(%run_scoped3A : memref<!tpu.dma_semaphore, #tpu.memory_space<semaphore_mem>>)
      %dma_wait3A = arith.constant 0 : i32
      %dma_wait3A_306 = arith.constant 0 : i32
      %dma_wait3A_307 = tpu.memref_slice %arg2[%add3A, %dma_wait3A, %dma_wait3A_306] : memref<32x81x128xi32, #tpu.memory_space<hbm>> -> memref<1x81x128xi32, #tpu.memory_space<hbm>>
      %dma_wait3A_308 = tpu.memref_squeeze %dma_wait3A_307 : memref<1x81x128xi32, #tpu.memory_space<hbm>> -> memref<81x128xi32, #tpu.memory_space<hbm>>
      %dma_wait3A_309 = arith.constant 0 : i32
      %dma_wait3A_310 = arith.constant 0 : i32
      %dma_wait3A_311 = tpu.memref_slice %arg2[%add3A, %dma_wait3A_309, %dma_wait3A_310] : memref<32x81x128xi32, #tpu.memory_space<hbm>> -> memref<1x81x128xi32, #tpu.memory_space<hbm>>
      %dma_wait3A_312 = tpu.memref_squeeze %dma_wait3A_311 : memref<1x81x128xi32, #tpu.memory_space<hbm>> -> memref<81x128xi32, #tpu.memory_space<hbm>>
      tpu.wait_dma2 semaphore(%run_scoped3A : memref<!tpu.dma_semaphore, #tpu.memory_space<semaphore_mem>>) src(%dma_wait3A_312 : memref<81x128xi32, #tpu.memory_space<hbm>>) dst(%arg4 : memref<81x128xi32, #tpu.memory_space<vmem>>)
      tpu.yield
    }) : () -> ()
    %barrier3A = arith.constant 0 : index
    tpu.barrier barrier_id(%barrier3A)
    %scan3A = arith.constant 0 : i32
    %scan3A_289 = arith.constant 0 : i32
    %scan3A_290 = arith.constant 81 : i32
    %scan3A_291 = arith.addi %scan3A_289, %scan3A_290 : i32
    %scan3A_292 = arith.constant 1 : i32
    scf.for %scan3A_299 = %scan3A_289 to %scan3A_291 step %scan3A_292  : i32 {
      "tpu.region"() ({
        %run_scoped3A = tpu.sem_alloc : memref<!tpu.dma_semaphore, #tpu.memory_space<semaphore_mem>>
        %dma_start3A = arith.constant 0 : i32
        %dma_start3A_300 = tpu.memref_slice %arg4[%scan3A_299, %dma_start3A] : memref<81x128xi32, #tpu.memory_space<vmem>> -> memref<1x128xi32, #tpu.memory_space<vmem>>
        %dma_start3A_301 = tpu.memref_squeeze %dma_start3A_300 : memref<1x128xi32, #tpu.memory_space<vmem>> -> memref<128xi32, #tpu.memory_space<vmem>>
        %dma_start3A_302 = arith.constant 0 : i32
        %dma_start3A_303 = tpu.memref_slice %arg7[%dma_start3A_302] : memref<10240xf32, #tpu.memory_space<vmem_shared>> -> memref<10240xf32, #tpu.memory_space<vmem_shared>>
        tpu.enqueue_indirect_dma source(%arg5 : memref<128xf32, #tpu.memory_space<vmem>>) target(%dma_start3A_303 : memref<10240xf32, #tpu.memory_space<vmem_shared>>) offsets(%dma_start3A_301 : memref<128xi32, #tpu.memory_space<vmem>>) semaphore(%run_scoped3A : memref<!tpu.dma_semaphore, #tpu.memory_space<semaphore_mem>>) {add = true}
        %dma_wait3A = arith.constant 0 : i32
        %dma_wait3A_304 = tpu.memref_slice %arg4[%scan3A_299, %dma_wait3A] : memref<81x128xi32, #tpu.memory_space<vmem>> -> memref<1x128xi32, #tpu.memory_space<vmem>>
        %dma_wait3A_305 = tpu.memref_squeeze %dma_wait3A_304 : memref<1x128xi32, #tpu.memory_space<vmem>> -> memref<128xi32, #tpu.memory_space<vmem>>
        %dma_wait3A_306 = arith.constant 0 : i32
        %dma_wait3A_307 = tpu.memref_slice %arg7[%dma_wait3A_306] : memref<10240xf32, #tpu.memory_space<vmem_shared>> -> memref<10240xf32, #tpu.memory_space<vmem_shared>>
        tpu.wait_indirect_dma semaphore(%run_scoped3A : memref<!tpu.dma_semaphore, #tpu.memory_space<semaphore_mem>>) src(%arg5 : memref<128xf32, #tpu.memory_space<vmem>>) dst(%dma_wait3A_307 : memref<10240xf32, #tpu.memory_space<vmem_shared>>)
        tpu.yield
      }) : () -> ()
    }
    %scan3A_293 = arith.constant 81 : i32
    %barrier3A_294 = arith.constant 0 : index
    tpu.barrier barrier_id(%barrier3A_294)
    %mul3A_295 = arith.constant 640 : i32
    %mul3A_296 = arith.muli %arg1, %mul3A_295 : i32
    %mul3A_297 = arith.constant 640 : i32
    %mul3A_298 = arith.muli %arg1, %mul3A_297 : i32
    "tpu.region"() ({
      %run_scoped3A = tpu.sem_alloc : memref<!tpu.dma_semaphore, #tpu.memory_space<semaphore_mem>>
      %dma_start3A = tpu.memref_slice %arg3[%arg0, %mul3A_298] : memref<2x10240xf32, #tpu.memory_space<hbm>> -> memref<1x640xf32, #tpu.memory_space<hbm>>
      %dma_start3A_299 = tpu.memref_squeeze %dma_start3A : memref<1x640xf32, #tpu.memory_space<hbm>> -> memref<640xf32, #tpu.memory_space<hbm>>
      %dma_start3A_300 = tpu.memref_slice %arg7[%mul3A_296] : memref<10240xf32, #tpu.memory_space<vmem_shared>> -> memref<640xf32, #tpu.memory_space<vmem_shared>>
      tpu.enqueue_dma source(%dma_start3A_300 : memref<640xf32, #tpu.memory_space<vmem_shared>>) target(%dma_start3A_299 : memref<640xf32, #tpu.memory_space<hbm>>) target_semaphore(%run_scoped3A : memref<!tpu.dma_semaphore, #tpu.memory_space<semaphore_mem>>)
      %dma_wait3A = tpu.memref_slice %arg3[%arg0, %mul3A_298] : memref<2x10240xf32, #tpu.memory_space<hbm>> -> memref<1x640xf32, #tpu.memory_space<hbm>>
      %dma_wait3A_301 = tpu.memref_squeeze %dma_wait3A : memref<1x640xf32, #tpu.memory_space<hbm>> -> memref<640xf32, #tpu.memory_space<hbm>>
      %dma_wait3A_302 = tpu.memref_slice %arg7[%mul3A_296] : memref<10240xf32, #tpu.memory_space<vmem_shared>> -> memref<640xf32, #tpu.memory_space<vmem_shared>>
      tpu.wait_dma2 semaphore(%run_scoped3A : memref<!tpu.dma_semaphore, #tpu.memory_space<semaphore_mem>>) src(%dma_wait3A_302 : memref<640xf32, #tpu.memory_space<vmem_shared>>) dst(%dma_wait3A_301 : memref<640xf32, #tpu.memory_space<hbm>>)
      tpu.yield
    }) : () -> ()
    return
  }
}

#map = affine_map<(d0, d1) -> (0, 0)>
#map1 = affine_map<(d0, d1) -> (0, 0, 0)>
module attributes {stable_mosaic.version = 14 : i64} {
  func.func @_prop_body(%arg0: i32, %arg1: i32, %arg2: memref<10240x128xf32, #tpu.memory_space<hbm>>, %arg3: memref<32x81x128xi32, #tpu.memory_space<hbm>>, %arg4: memref<32x81x128xi32, #tpu.memory_space<hbm>>, %arg5: memref<2x10240x128xf32, #tpu.memory_space<hbm>>, %arg6: memref<81x128xi32, #tpu.memory_space<vmem>>, %arg7: memref<81x128xi32, #tpu.memory_space<vmem>>, %arg8: memref<128x128xf32, #tpu.memory_space<vmem>>, %arg9: memref<!tpu.dma_semaphore, #tpu.memory_space<semaphore_mem>>, %arg10: memref<10240x128xf32, #tpu.memory_space<vmem_shared>>) attributes {dimension_semantics = [#tpu.dimension_semantics<core_parallel>, #tpu.dimension_semantics<subcore_parallel>], iteration_bounds = array<i64: 2, 16>, scalar_prefetch = 0 : i64, scratch_operands = 5 : i64, tpu.core_type = #tpu.core_type<sc_vector_subcore>, window_params = [{transform_indices = #map}, {transform_indices = #map1}, {transform_indices = #map1}, {transform_indices = #map1}]} {
    %mul3A = arith.constant 16 : i32
    %mul3A_0 = arith.muli %arg0, %mul3A : i32
    %add3A = arith.addi %mul3A_0, %arg1 : i32
    %scan3A = arith.constant 0 : i32
    %scan3A_1 = arith.constant 0 : i32
    %scan3A_2 = arith.constant 128 : i32
    %scan3A_3 = arith.addi %scan3A_1, %scan3A_2 : i32
    %scan3A_4 = arith.constant 1 : i32
    scf.for %scan3A_37 = %scan3A_1 to %scan3A_3 step %scan3A_4  : i32 {
      %broadcast_in_dim3A = arith.constant 0.000000e+00 : f32
      %broadcast_in_dim3A_38 = vector.broadcast %broadcast_in_dim3A : f32 to vector<16xf32>
      %swap3A = arith.index_cast %scan3A_37 : i32 to index
      %swap3A_39 = arith.constant 0 : index
      %swap3A_40 = tpu.vector_load %arg8[%swap3A, %swap3A_39] {strides = array<i32>} : memref<128x128xf32, #tpu.memory_space<vmem>>, vector<1x16xf32>,
      %swap3A_41 = vector.shape_cast %swap3A_40 : vector<1x16xf32> to vector<16xf32>
      %swap3A_42 = vector.shape_cast %broadcast_in_dim3A_38 : vector<16xf32> to vector<1x16xf32>
      tpu.vector_store %arg8[%swap3A, %swap3A_39], %swap3A_42 {strides = array<i32>} : memref<128x128xf32, #tpu.memory_space<vmem>>, vector<1x16xf32>,
      %broadcast_in_dim3A_43 = arith.constant 0.000000e+00 : f32
      %broadcast_in_dim3A_44 = vector.broadcast %broadcast_in_dim3A_43 : f32 to vector<16xf32>
      %swap3A_45 = arith.index_cast %scan3A_37 : i32 to index
      %swap3A_46 = arith.constant 16 : index
      %swap3A_47 = tpu.vector_load %arg8[%swap3A_45, %swap3A_46] {strides = array<i32>} : memref<128x128xf32, #tpu.memory_space<vmem>>, vector<1x16xf32>,
      %swap3A_48 = vector.shape_cast %swap3A_47 : vector<1x16xf32> to vector<16xf32>
      %swap3A_49 = vector.shape_cast %broadcast_in_dim3A_44 : vector<16xf32> to vector<1x16xf32>
      tpu.vector_store %arg8[%swap3A_45, %swap3A_46], %swap3A_49 {strides = array<i32>} : memref<128x128xf32, #tpu.memory_space<vmem>>, vector<1x16xf32>,
      %broadcast_in_dim3A_50 = arith.constant 0.000000e+00 : f32
      %broadcast_in_dim3A_51 = vector.broadcast %broadcast_in_dim3A_50 : f32 to vector<16xf32>
      %swap3A_52 = arith.index_cast %scan3A_37 : i32 to index
      %swap3A_53 = arith.constant 32 : index
      %swap3A_54 = tpu.vector_load %arg8[%swap3A_52, %swap3A_53] {strides = array<i32>} : memref<128x128xf32, #tpu.memory_space<vmem>>, vector<1x16xf32>,
      %swap3A_55 = vector.shape_cast %swap3A_54 : vector<1x16xf32> to vector<16xf32>
      %swap3A_56 = vector.shape_cast %broadcast_in_dim3A_51 : vector<16xf32> to vector<1x16xf32>
      tpu.vector_store %arg8[%swap3A_52, %swap3A_53], %swap3A_56 {strides = array<i32>} : memref<128x128xf32, #tpu.memory_space<vmem>>, vector<1x16xf32>,
      %broadcast_in_dim3A_57 = arith.constant 0.000000e+00 : f32
      %broadcast_in_dim3A_58 = vector.broadcast %broadcast_in_dim3A_57 : f32 to vector<16xf32>
      %swap3A_59 = arith.index_cast %scan3A_37 : i32 to index
      %swap3A_60 = arith.constant 48 : index
      %swap3A_61 = tpu.vector_load %arg8[%swap3A_59, %swap3A_60] {strides = array<i32>} : memref<128x128xf32, #tpu.memory_space<vmem>>, vector<1x16xf32>,
      %swap3A_62 = vector.shape_cast %swap3A_61 : vector<1x16xf32> to vector<16xf32>
      %swap3A_63 = vector.shape_cast %broadcast_in_dim3A_58 : vector<16xf32> to vector<1x16xf32>
      tpu.vector_store %arg8[%swap3A_59, %swap3A_60], %swap3A_63 {strides = array<i32>} : memref<128x128xf32, #tpu.memory_space<vmem>>, vector<1x16xf32>,
      %broadcast_in_dim3A_64 = arith.constant 0.000000e+00 : f32
      %broadcast_in_dim3A_65 = vector.broadcast %broadcast_in_dim3A_64 : f32 to vector<16xf32>
      %swap3A_66 = arith.index_cast %scan3A_37 : i32 to index
      %swap3A_67 = arith.constant 64 : index
      %swap3A_68 = tpu.vector_load %arg8[%swap3A_66, %swap3A_67] {strides = array<i32>} : memref<128x128xf32, #tpu.memory_space<vmem>>, vector<1x16xf32>,
      %swap3A_69 = vector.shape_cast %swap3A_68 : vector<1x16xf32> to vector<16xf32>
      %swap3A_70 = vector.shape_cast %broadcast_in_dim3A_65 : vector<16xf32> to vector<1x16xf32>
      tpu.vector_store %arg8[%swap3A_66, %swap3A_67], %swap3A_70 {strides = array<i32>} : memref<128x128xf32, #tpu.memory_space<vmem>>, vector<1x16xf32>,
      %broadcast_in_dim3A_71 = arith.constant 0.000000e+00 : f32
      %broadcast_in_dim3A_72 = vector.broadcast %broadcast_in_dim3A_71 : f32 to vector<16xf32>
      %swap3A_73 = arith.index_cast %scan3A_37 : i32 to index
      %swap3A_74 = arith.constant 80 : index
      %swap3A_75 = tpu.vector_load %arg8[%swap3A_73, %swap3A_74] {strides = array<i32>} : memref<128x128xf32, #tpu.memory_space<vmem>>, vector<1x16xf32>,
      %swap3A_76 = vector.shape_cast %swap3A_75 : vector<1x16xf32> to vector<16xf32>
      %swap3A_77 = vector.shape_cast %broadcast_in_dim3A_72 : vector<16xf32> to vector<1x16xf32>
      tpu.vector_store %arg8[%swap3A_73, %swap3A_74], %swap3A_77 {strides = array<i32>} : memref<128x128xf32, #tpu.memory_space<vmem>>, vector<1x16xf32>,
      %broadcast_in_dim3A_78 = arith.constant 0.000000e+00 : f32
      %broadcast_in_dim3A_79 = vector.broadcast %broadcast_in_dim3A_78 : f32 to vector<16xf32>
      %swap3A_80 = arith.index_cast %scan3A_37 : i32 to index
      %swap3A_81 = arith.constant 96 : index
      %swap3A_82 = tpu.vector_load %arg8[%swap3A_80, %swap3A_81] {strides = array<i32>} : memref<128x128xf32, #tpu.memory_space<vmem>>, vector<1x16xf32>,
      %swap3A_83 = vector.shape_cast %swap3A_82 : vector<1x16xf32> to vector<16xf32>
      %swap3A_84 = vector.shape_cast %broadcast_in_dim3A_79 : vector<16xf32> to vector<1x16xf32>
      tpu.vector_store %arg8[%swap3A_80, %swap3A_81], %swap3A_84 {strides = array<i32>} : memref<128x128xf32, #tpu.memory_space<vmem>>, vector<1x16xf32>,
      %broadcast_in_dim3A_85 = arith.constant 0.000000e+00 : f32
      %broadcast_in_dim3A_86 = vector.broadcast %broadcast_in_dim3A_85 : f32 to vector<16xf32>
      %swap3A_87 = arith.index_cast %scan3A_37 : i32 to index
      %swap3A_88 = arith.constant 112 : index
      %swap3A_89 = tpu.vector_load %arg8[%swap3A_87, %swap3A_88] {strides = array<i32>} : memref<128x128xf32, #tpu.memory_space<vmem>>, vector<1x16xf32>,
      %swap3A_90 = vector.shape_cast %swap3A_89 : vector<1x16xf32> to vector<16xf32>
      %swap3A_91 = vector.shape_cast %broadcast_in_dim3A_86 : vector<16xf32> to vector<1x16xf32>
      tpu.vector_store %arg8[%swap3A_87, %swap3A_88], %swap3A_91 {strides = array<i32>} : memref<128x128xf32, #tpu.memory_space<vmem>>, vector<1x16xf32>,
    }
    %scan3A_5 = arith.constant 128 : i32
    %mul3A_6 = arith.constant 640 : i32
    %mul3A_7 = arith.muli %arg1, %mul3A_6 : i32
    %add3A_8 = arith.constant 0 : i32
    %add3A_9 = arith.addi %mul3A_7, %add3A_8 : i32
    "tpu.region"() ({
      %run_scoped3A = tpu.sem_alloc : memref<!tpu.dma_semaphore, #tpu.memory_space<semaphore_mem>>
      %dma_start3A = arith.constant 0 : i32
      %dma_start3A_37 = tpu.memref_slice %arg10[%add3A_9, %dma_start3A] : memref<10240x128xf32, #tpu.memory_space<vmem_shared>> -> memref<128x128xf32, #tpu.memory_space<vmem_shared>>
      %dma_start3A_38 = arith.constant 0 : i32
      %dma_start3A_39 = tpu.memref_slice %arg10[%add3A_9, %dma_start3A_38] : memref<10240x128xf32, #tpu.memory_space<vmem_shared>> -> memref<128x128xf32, #tpu.memory_space<vmem_shared>>
      tpu.enqueue_dma source(%arg8 : memref<128x128xf32, #tpu.memory_space<vmem>>) target(%dma_start3A_39 : memref<128x128xf32, #tpu.memory_space<vmem_shared>>) target_semaphore(%run_scoped3A : memref<!tpu.dma_semaphore, #tpu.memory_space<semaphore_mem>>)
      %dma_wait3A = arith.constant 0 : i32
      %dma_wait3A_40 = tpu.memref_slice %arg10[%add3A_9, %dma_wait3A] : memref<10240x128xf32, #tpu.memory_space<vmem_shared>> -> memref<128x128xf32, #tpu.memory_space<vmem_shared>>
      %dma_wait3A_41 = arith.constant 0 : i32
      %dma_wait3A_42 = tpu.memref_slice %arg10[%add3A_9, %dma_wait3A_41] : memref<10240x128xf32, #tpu.memory_space<vmem_shared>> -> memref<128x128xf32, #tpu.memory_space<vmem_shared>>
      tpu.wait_dma2 semaphore(%run_scoped3A : memref<!tpu.dma_semaphore, #tpu.memory_space<semaphore_mem>>) src(%arg8 : memref<128x128xf32, #tpu.memory_space<vmem>>) dst(%dma_wait3A_42 : memref<128x128xf32, #tpu.memory_space<vmem_shared>>)
      tpu.yield
    }) : () -> ()
    %mul3A_10 = arith.constant 640 : i32
    %mul3A_11 = arith.muli %arg1, %mul3A_10 : i32
    %add3A_12 = arith.constant 128 : i32
    %add3A_13 = arith.addi %mul3A_11, %add3A_12 : i32
    "tpu.region"() ({
      %run_scoped3A = tpu.sem_alloc : memref<!tpu.dma_semaphore, #tpu.memory_space<semaphore_mem>>
      %dma_start3A = arith.constant 0 : i32
      %dma_start3A_37 = tpu.memref_slice %arg10[%add3A_13, %dma_start3A] : memref<10240x128xf32, #tpu.memory_space<vmem_shared>> -> memref<128x128xf32, #tpu.memory_space<vmem_shared>>
      %dma_start3A_38 = arith.constant 0 : i32
      %dma_start3A_39 = tpu.memref_slice %arg10[%add3A_13, %dma_start3A_38] : memref<10240x128xf32, #tpu.memory_space<vmem_shared>> -> memref<128x128xf32, #tpu.memory_space<vmem_shared>>
      tpu.enqueue_dma source(%arg8 : memref<128x128xf32, #tpu.memory_space<vmem>>) target(%dma_start3A_39 : memref<128x128xf32, #tpu.memory_space<vmem_shared>>) target_semaphore(%run_scoped3A : memref<!tpu.dma_semaphore, #tpu.memory_space<semaphore_mem>>)
      %dma_wait3A = arith.constant 0 : i32
      %dma_wait3A_40 = tpu.memref_slice %arg10[%add3A_13, %dma_wait3A] : memref<10240x128xf32, #tpu.memory_space<vmem_shared>> -> memref<128x128xf32, #tpu.memory_space<vmem_shared>>
      %dma_wait3A_41 = arith.constant 0 : i32
      %dma_wait3A_42 = tpu.memref_slice %arg10[%add3A_13, %dma_wait3A_41] : memref<10240x128xf32, #tpu.memory_space<vmem_shared>> -> memref<128x128xf32, #tpu.memory_space<vmem_shared>>
      tpu.wait_dma2 semaphore(%run_scoped3A : memref<!tpu.dma_semaphore, #tpu.memory_space<semaphore_mem>>) src(%arg8 : memref<128x128xf32, #tpu.memory_space<vmem>>) dst(%dma_wait3A_42 : memref<128x128xf32, #tpu.memory_space<vmem_shared>>)
      tpu.yield
    }) : () -> ()
    %mul3A_14 = arith.constant 640 : i32
    %mul3A_15 = arith.muli %arg1, %mul3A_14 : i32
    %add3A_16 = arith.constant 256 : i32
    %add3A_17 = arith.addi %mul3A_15, %add3A_16 : i32
    "tpu.region"() ({
      %run_scoped3A = tpu.sem_alloc : memref<!tpu.dma_semaphore, #tpu.memory_space<semaphore_mem>>
      %dma_start3A = arith.constant 0 : i32
      %dma_start3A_37 = tpu.memref_slice %arg10[%add3A_17, %dma_start3A] : memref<10240x128xf32, #tpu.memory_space<vmem_shared>> -> memref<128x128xf32, #tpu.memory_space<vmem_shared>>
      %dma_start3A_38 = arith.constant 0 : i32
      %dma_start3A_39 = tpu.memref_slice %arg10[%add3A_17, %dma_start3A_38] : memref<10240x128xf32, #tpu.memory_space<vmem_shared>> -> memref<128x128xf32, #tpu.memory_space<vmem_shared>>
      tpu.enqueue_dma source(%arg8 : memref<128x128xf32, #tpu.memory_space<vmem>>) target(%dma_start3A_39 : memref<128x128xf32, #tpu.memory_space<vmem_shared>>) target_semaphore(%run_scoped3A : memref<!tpu.dma_semaphore, #tpu.memory_space<semaphore_mem>>)
      %dma_wait3A = arith.constant 0 : i32
      %dma_wait3A_40 = tpu.memref_slice %arg10[%add3A_17, %dma_wait3A] : memref<10240x128xf32, #tpu.memory_space<vmem_shared>> -> memref<128x128xf32, #tpu.memory_space<vmem_shared>>
      %dma_wait3A_41 = arith.constant 0 : i32
      %dma_wait3A_42 = tpu.memref_slice %arg10[%add3A_17, %dma_wait3A_41] : memref<10240x128xf32, #tpu.memory_space<vmem_shared>> -> memref<128x128xf32, #tpu.memory_space<vmem_shared>>
      tpu.wait_dma2 semaphore(%run_scoped3A : memref<!tpu.dma_semaphore, #tpu.memory_space<semaphore_mem>>) src(%arg8 : memref<128x128xf32, #tpu.memory_space<vmem>>) dst(%dma_wait3A_42 : memref<128x128xf32, #tpu.memory_space<vmem_shared>>)
      tpu.yield
    }) : () -> ()
    %mul3A_18 = arith.constant 640 : i32
    %mul3A_19 = arith.muli %arg1, %mul3A_18 : i32
    %add3A_20 = arith.constant 384 : i32
    %add3A_21 = arith.addi %mul3A_19, %add3A_20 : i32
    "tpu.region"() ({
      %run_scoped3A = tpu.sem_alloc : memref<!tpu.dma_semaphore, #tpu.memory_space<semaphore_mem>>
      %dma_start3A = arith.constant 0 : i32
      %dma_start3A_37 = tpu.memref_slice %arg10[%add3A_21, %dma_start3A] : memref<10240x128xf32, #tpu.memory_space<vmem_shared>> -> memref<128x128xf32, #tpu.memory_space<vmem_shared>>
      %dma_start3A_38 = arith.constant 0 : i32
      %dma_start3A_39 = tpu.memref_slice %arg10[%add3A_21, %dma_start3A_38] : memref<10240x128xf32, #tpu.memory_space<vmem_shared>> -> memref<128x128xf32, #tpu.memory_space<vmem_shared>>
      tpu.enqueue_dma source(%arg8 : memref<128x128xf32, #tpu.memory_space<vmem>>) target(%dma_start3A_39 : memref<128x128xf32, #tpu.memory_space<vmem_shared>>) target_semaphore(%run_scoped3A : memref<!tpu.dma_semaphore, #tpu.memory_space<semaphore_mem>>)
      %dma_wait3A = arith.constant 0 : i32
      %dma_wait3A_40 = tpu.memref_slice %arg10[%add3A_21, %dma_wait3A] : memref<10240x128xf32, #tpu.memory_space<vmem_shared>> -> memref<128x128xf32, #tpu.memory_space<vmem_shared>>
      %dma_wait3A_41 = arith.constant 0 : i32
      %dma_wait3A_42 = tpu.memref_slice %arg10[%add3A_21, %dma_wait3A_41] : memref<10240x128xf32, #tpu.memory_space<vmem_shared>> -> memref<128x128xf32, #tpu.memory_space<vmem_shared>>
      tpu.wait_dma2 semaphore(%run_scoped3A : memref<!tpu.dma_semaphore, #tpu.memory_space<semaphore_mem>>) src(%arg8 : memref<128x128xf32, #tpu.memory_space<vmem>>) dst(%dma_wait3A_42 : memref<128x128xf32, #tpu.memory_space<vmem_shared>>)
      tpu.yield
    }) : () -> ()
    %mul3A_22 = arith.constant 640 : i32
    %mul3A_23 = arith.muli %arg1, %mul3A_22 : i32
    %add3A_24 = arith.constant 512 : i32
    %add3A_25 = arith.addi %mul3A_23, %add3A_24 : i32
    "tpu.region"() ({
      %run_scoped3A = tpu.sem_alloc : memref<!tpu.dma_semaphore, #tpu.memory_space<semaphore_mem>>
      %dma_start3A = arith.constant 0 : i32
      %dma_start3A_37 = tpu.memref_slice %arg10[%add3A_25, %dma_start3A] : memref<10240x128xf32, #tpu.memory_space<vmem_shared>> -> memref<128x128xf32, #tpu.memory_space<vmem_shared>>
      %dma_start3A_38 = arith.constant 0 : i32
      %dma_start3A_39 = tpu.memref_slice %arg10[%add3A_25, %dma_start3A_38] : memref<10240x128xf32, #tpu.memory_space<vmem_shared>> -> memref<128x128xf32, #tpu.memory_space<vmem_shared>>
      tpu.enqueue_dma source(%arg8 : memref<128x128xf32, #tpu.memory_space<vmem>>) target(%dma_start3A_39 : memref<128x128xf32, #tpu.memory_space<vmem_shared>>) target_semaphore(%run_scoped3A : memref<!tpu.dma_semaphore, #tpu.memory_space<semaphore_mem>>)
      %dma_wait3A = arith.constant 0 : i32
      %dma_wait3A_40 = tpu.memref_slice %arg10[%add3A_25, %dma_wait3A] : memref<10240x128xf32, #tpu.memory_space<vmem_shared>> -> memref<128x128xf32, #tpu.memory_space<vmem_shared>>
      %dma_wait3A_41 = arith.constant 0 : i32
      %dma_wait3A_42 = tpu.memref_slice %arg10[%add3A_25, %dma_wait3A_41] : memref<10240x128xf32, #tpu.memory_space<vmem_shared>> -> memref<128x128xf32, #tpu.memory_space<vmem_shared>>
      tpu.wait_dma2 semaphore(%run_scoped3A : memref<!tpu.dma_semaphore, #tpu.memory_space<semaphore_mem>>) src(%arg8 : memref<128x128xf32, #tpu.memory_space<vmem>>) dst(%dma_wait3A_42 : memref<128x128xf32, #tpu.memory_space<vmem_shared>>)
      tpu.yield
    }) : () -> ()
    "tpu.region"() ({
      %run_scoped3A = tpu.sem_alloc : memref<!tpu.dma_semaphore, #tpu.memory_space<semaphore_mem>>
      %dma_start3A = arith.constant 0 : i32
      %dma_start3A_37 = arith.constant 0 : i32
      %dma_start3A_38 = tpu.memref_slice %arg3[%add3A, %dma_start3A, %dma_start3A_37] : memref<32x81x128xi32, #tpu.memory_space<hbm>> -> memref<1x81x128xi32, #tpu.memory_space<hbm>>
      %dma_start3A_39 = tpu.memref_squeeze %dma_start3A_38 : memref<1x81x128xi32, #tpu.memory_space<hbm>> -> memref<81x128xi32, #tpu.memory_space<hbm>>
      %dma_start3A_40 = arith.constant 0 : i32
      %dma_start3A_41 = arith.constant 0 : i32
      %dma_start3A_42 = tpu.memref_slice %arg3[%add3A, %dma_start3A_40, %dma_start3A_41] : memref<32x81x128xi32, #tpu.memory_space<hbm>> -> memref<1x81x128xi32, #tpu.memory_space<hbm>>
      %dma_start3A_43 = tpu.memref_squeeze %dma_start3A_42 : memref<1x81x128xi32, #tpu.memory_space<hbm>> -> memref<81x128xi32, #tpu.memory_space<hbm>>
      tpu.enqueue_dma source(%dma_start3A_43 : memref<81x128xi32, #tpu.memory_space<hbm>>) target(%arg6 : memref<81x128xi32, #tpu.memory_space<vmem>>) target_semaphore(%run_scoped3A : memref<!tpu.dma_semaphore, #tpu.memory_space<semaphore_mem>>)
      %dma_wait3A = arith.constant 0 : i32
      %dma_wait3A_44 = arith.constant 0 : i32
      %dma_wait3A_45 = tpu.memref_slice %arg3[%add3A, %dma_wait3A, %dma_wait3A_44] : memref<32x81x128xi32, #tpu.memory_space<hbm>> -> memref<1x81x128xi32, #tpu.memory_space<hbm>>
      %dma_wait3A_46 = tpu.memref_squeeze %dma_wait3A_45 : memref<1x81x128xi32, #tpu.memory_space<hbm>> -> memref<81x128xi32, #tpu.memory_space<hbm>>
      %dma_wait3A_47 = arith.constant 0 : i32
      %dma_wait3A_48 = arith.constant 0 : i32
      %dma_wait3A_49 = tpu.memref_slice %arg3[%add3A, %dma_wait3A_47, %dma_wait3A_48] : memref<32x81x128xi32, #tpu.memory_space<hbm>> -> memref<1x81x128xi32, #tpu.memory_space<hbm>>
      %dma_wait3A_50 = tpu.memref_squeeze %dma_wait3A_49 : memref<1x81x128xi32, #tpu.memory_space<hbm>> -> memref<81x128xi32, #tpu.memory_space<hbm>>
      tpu.wait_dma2 semaphore(%run_scoped3A : memref<!tpu.dma_semaphore, #tpu.memory_space<semaphore_mem>>) src(%dma_wait3A_50 : memref<81x128xi32, #tpu.memory_space<hbm>>) dst(%arg6 : memref<81x128xi32, #tpu.memory_space<vmem>>)
      tpu.yield
    }) : () -> ()
    "tpu.region"() ({
      %run_scoped3A = tpu.sem_alloc : memref<!tpu.dma_semaphore, #tpu.memory_space<semaphore_mem>>
      %dma_start3A = arith.constant 0 : i32
      %dma_start3A_37 = arith.constant 0 : i32
      %dma_start3A_38 = tpu.memref_slice %arg4[%add3A, %dma_start3A, %dma_start3A_37] : memref<32x81x128xi32, #tpu.memory_space<hbm>> -> memref<1x81x128xi32, #tpu.memory_space<hbm>>
      %dma_start3A_39 = tpu.memref_squeeze %dma_start3A_38 : memref<1x81x128xi32, #tpu.memory_space<hbm>> -> memref<81x128xi32, #tpu.memory_space<hbm>>
      %dma_start3A_40 = arith.constant 0 : i32
      %dma_start3A_41 = arith.constant 0 : i32
      %dma_start3A_42 = tpu.memref_slice %arg4[%add3A, %dma_start3A_40, %dma_start3A_41] : memref<32x81x128xi32, #tpu.memory_space<hbm>> -> memref<1x81x128xi32, #tpu.memory_space<hbm>>
      %dma_start3A_43 = tpu.memref_squeeze %dma_start3A_42 : memref<1x81x128xi32, #tpu.memory_space<hbm>> -> memref<81x128xi32, #tpu.memory_space<hbm>>
      tpu.enqueue_dma source(%dma_start3A_43 : memref<81x128xi32, #tpu.memory_space<hbm>>) target(%arg7 : memref<81x128xi32, #tpu.memory_space<vmem>>) target_semaphore(%run_scoped3A : memref<!tpu.dma_semaphore, #tpu.memory_space<semaphore_mem>>)
      %dma_wait3A = arith.constant 0 : i32
      %dma_wait3A_44 = arith.constant 0 : i32
      %dma_wait3A_45 = tpu.memref_slice %arg4[%add3A, %dma_wait3A, %dma_wait3A_44] : memref<32x81x128xi32, #tpu.memory_space<hbm>> -> memref<1x81x128xi32, #tpu.memory_space<hbm>>
      %dma_wait3A_46 = tpu.memref_squeeze %dma_wait3A_45 : memref<1x81x128xi32, #tpu.memory_space<hbm>> -> memref<81x128xi32, #tpu.memory_space<hbm>>
      %dma_wait3A_47 = arith.constant 0 : i32
      %dma_wait3A_48 = arith.constant 0 : i32
      %dma_wait3A_49 = tpu.memref_slice %arg4[%add3A, %dma_wait3A_47, %dma_wait3A_48] : memref<32x81x128xi32, #tpu.memory_space<hbm>> -> memref<1x81x128xi32, #tpu.memory_space<hbm>>
      %dma_wait3A_50 = tpu.memref_squeeze %dma_wait3A_49 : memref<1x81x128xi32, #tpu.memory_space<hbm>> -> memref<81x128xi32, #tpu.memory_space<hbm>>
      tpu.wait_dma2 semaphore(%run_scoped3A : memref<!tpu.dma_semaphore, #tpu.memory_space<semaphore_mem>>) src(%dma_wait3A_50 : memref<81x128xi32, #tpu.memory_space<hbm>>) dst(%arg7 : memref<81x128xi32, #tpu.memory_space<vmem>>)
      tpu.yield
    }) : () -> ()
    %barrier3A = arith.constant 0 : index
    tpu.barrier barrier_id(%barrier3A)
    %scan3A_26 = arith.constant 0 : i32
    %scan3A_27 = arith.constant 0 : i32
    %scan3A_28 = arith.constant 81 : i32
    %scan3A_29 = arith.addi %scan3A_27, %scan3A_28 : i32
    %scan3A_30 = arith.constant 1 : i32
    scf.for %scan3A_37 = %scan3A_27 to %scan3A_29 step %scan3A_30  : i32 {
      %dma_start3A = arith.constant 0 : i32
      %dma_start3A_38 = tpu.memref_slice %arg6[%scan3A_37, %dma_start3A] : memref<81x128xi32, #tpu.memory_space<vmem>> -> memref<1x128xi32, #tpu.memory_space<vmem>>
      %dma_start3A_39 = tpu.memref_squeeze %dma_start3A_38 : memref<1x128xi32, #tpu.memory_space<vmem>> -> memref<128xi32, #tpu.memory_space<vmem>>
      %dma_start3A_40 = arith.constant 0 : i32
      %dma_start3A_41 = arith.constant 0 : i32
      %dma_start3A_42 = tpu.memref_slice %arg2[%dma_start3A_40, %dma_start3A_41] : memref<10240x128xf32, #tpu.memory_space<hbm>> -> memref<10240x128xf32, #tpu.memory_space<hbm>>
      tpu.enqueue_indirect_dma source(%dma_start3A_42 : memref<10240x128xf32, #tpu.memory_space<hbm>>) target(%arg8 : memref<128x128xf32, #tpu.memory_space<vmem>>) offsets(%dma_start3A_39 : memref<128xi32, #tpu.memory_space<vmem>>) semaphore(%arg9 : memref<!tpu.dma_semaphore, #tpu.memory_space<semaphore_mem>>)
      %dma_wait3A = arith.constant 0 : i32
      %dma_wait3A_43 = tpu.memref_slice %arg6[%scan3A_37, %dma_wait3A] : memref<81x128xi32, #tpu.memory_space<vmem>> -> memref<1x128xi32, #tpu.memory_space<vmem>>
      %dma_wait3A_44 = tpu.memref_squeeze %dma_wait3A_43 : memref<1x128xi32, #tpu.memory_space<vmem>> -> memref<128xi32, #tpu.memory_space<vmem>>
      %dma_wait3A_45 = arith.constant 0 : i32
      %dma_wait3A_46 = arith.constant 0 : i32
      %dma_wait3A_47 = tpu.memref_slice %arg2[%dma_wait3A_45, %dma_wait3A_46] : memref<10240x128xf32, #tpu.memory_space<hbm>> -> memref<10240x128xf32, #tpu.memory_space<hbm>>
      tpu.wait_indirect_dma semaphore(%arg9 : memref<!tpu.dma_semaphore, #tpu.memory_space<semaphore_mem>>) src(%dma_wait3A_47 : memref<10240x128xf32, #tpu.memory_space<hbm>>) dst(%arg8 : memref<128x128xf32, #tpu.memory_space<vmem>>)
      "tpu.region"() ({
        %run_scoped3A = tpu.sem_alloc : memref<!tpu.dma_semaphore, #tpu.memory_space<semaphore_mem>>
        %dma_start3A_48 = arith.constant 0 : i32
        %dma_start3A_49 = tpu.memref_slice %arg7[%scan3A_37, %dma_start3A_48] : memref<81x128xi32, #tpu.memory_space<vmem>> -> memref<1x128xi32, #tpu.memory_space<vmem>>
        %dma_start3A_50 = tpu.memref_squeeze %dma_start3A_49 : memref<1x128xi32, #tpu.memory_space<vmem>> -> memref<128xi32, #tpu.memory_space<vmem>>
        %dma_start3A_51 = arith.constant 0 : i32
        %dma_start3A_52 = arith.constant 0 : i32
        %dma_start3A_53 = tpu.memref_slice %arg10[%dma_start3A_51, %dma_start3A_52] : memref<10240x128xf32, #tpu.memory_space<vmem_shared>> -> memref<10240x128xf32, #tpu.memory_space<vmem_shared>>
        tpu.enqueue_indirect_dma source(%arg8 : memref<128x128xf32, #tpu.memory_space<vmem>>) target(%dma_start3A_53 : memref<10240x128xf32, #tpu.memory_space<vmem_shared>>) offsets(%dma_start3A_50 : memref<128xi32, #tpu.memory_space<vmem>>) semaphore(%run_scoped3A : memref<!tpu.dma_semaphore, #tpu.memory_space<semaphore_mem>>) {add = true}
        %dma_wait3A_54 = arith.constant 0 : i32
        %dma_wait3A_55 = tpu.memref_slice %arg7[%scan3A_37, %dma_wait3A_54] : memref<81x128xi32, #tpu.memory_space<vmem>> -> memref<1x128xi32, #tpu.memory_space<vmem>>
        %dma_wait3A_56 = tpu.memref_squeeze %dma_wait3A_55 : memref<1x128xi32, #tpu.memory_space<vmem>> -> memref<128xi32, #tpu.memory_space<vmem>>
        %dma_wait3A_57 = arith.constant 0 : i32
        %dma_wait3A_58 = arith.constant 0 : i32
        %dma_wait3A_59 = tpu.memref_slice %arg10[%dma_wait3A_57, %dma_wait3A_58] : memref<10240x128xf32, #tpu.memory_space<vmem_shared>> -> memref<10240x128xf32, #tpu.memory_space<vmem_shared>>
        tpu.wait_indirect_dma semaphore(%run_scoped3A : memref<!tpu.dma_semaphore, #tpu.memory_space<semaphore_mem>>) src(%arg8 : memref<128x128xf32, #tpu.memory_space<vmem>>) dst(%dma_wait3A_59 : memref<10240x128xf32, #tpu.memory_space<vmem_shared>>)
        tpu.yield
      }) : () -> ()
    }
    %scan3A_31 = arith.constant 81 : i32
    %barrier3A_32 = arith.constant 0 : index
    tpu.barrier barrier_id(%barrier3A_32)
    %mul3A_33 = arith.constant 640 : i32
    %mul3A_34 = arith.muli %arg1, %mul3A_33 : i32
    %mul3A_35 = arith.constant 640 : i32
    %mul3A_36 = arith.muli %arg1, %mul3A_35 : i32
    "tpu.region"() ({
      %run_scoped3A = tpu.sem_alloc : memref<!tpu.dma_semaphore, #tpu.memory_space<semaphore_mem>>
      %dma_start3A = arith.constant 0 : i32
      %dma_start3A_37 = tpu.memref_slice %arg5[%arg0, %mul3A_36, %dma_start3A] : memref<2x10240x128xf32, #tpu.memory_space<hbm>> -> memref<1x640x128xf32, #tpu.memory_space<hbm>>
      %dma_start3A_38 = tpu.memref_squeeze %dma_start3A_37 : memref<1x640x128xf32, #tpu.memory_space<hbm>> -> memref<640x128xf32, #tpu.memory_space<hbm>>
      %dma_start3A_39 = arith.constant 0 : i32
      %dma_start3A_40 = tpu.memref_slice %arg10[%mul3A_34, %dma_start3A_39] : memref<10240x128xf32, #tpu.memory_space<vmem_shared>> -> memref<640x128xf32, #tpu.memory_space<vmem_shared>>
      tpu.enqueue_dma source(%dma_start3A_40 : memref<640x128xf32, #tpu.memory_space<vmem_shared>>) target(%dma_start3A_38 : memref<640x128xf32, #tpu.memory_space<hbm>>) target_semaphore(%run_scoped3A : memref<!tpu.dma_semaphore, #tpu.memory_space<semaphore_mem>>)
      %dma_wait3A = arith.constant 0 : i32
      %dma_wait3A_41 = tpu.memref_slice %arg5[%arg0, %mul3A_36, %dma_wait3A] : memref<2x10240x128xf32, #tpu.memory_space<hbm>> -> memref<1x640x128xf32, #tpu.memory_space<hbm>>
      %dma_wait3A_42 = tpu.memref_squeeze %dma_wait3A_41 : memref<1x640x128xf32, #tpu.memory_space<hbm>> -> memref<640x128xf32, #tpu.memory_space<hbm>>
      %dma_wait3A_43 = arith.constant 0 : i32
      %dma_wait3A_44 = tpu.memref_slice %arg10[%mul3A_34, %dma_wait3A_43] : memref<10240x128xf32, #tpu.memory_space<vmem_shared>> -> memref<640x128xf32, #tpu.memory_space<vmem_shared>>
      tpu.wait_dma2 semaphore(%run_scoped3A : memref<!tpu.dma_semaphore, #tpu.memory_space<semaphore_mem>>) src(%dma_wait3A_44 : memref<640x128xf32, #tpu.memory_space<vmem_shared>>) dst(%dma_wait3A_42 : memref<640x128xf32, #tpu.memory_space<hbm>>)
      tpu.yield
    }) : () -> ()
    return
  }
}

module attributes {stable_mosaic.version = 14 : i64} {
  func.func @_tc1_body(%arg0: memref<10000x128xf32, #tpu.memory_space<vmem>>, %arg1: memref<128x128xf32, #tpu.memory_space<vmem>>, %arg2: memref<2x10240xf32, #tpu.memory_space<vmem>>, %arg3: memref<10240x128xf32, #tpu.memory_space<vmem>>, %arg4: memref<10240xf32, #tpu.memory_space<vmem>>) attributes {dimension_semantics = [], scalar_prefetch = 0 : i64, scratch_operands = 0 : i64, tpu.core_type = #tpu.core_type<tc>} {
    %get3A = arith.constant 0 : index
    %get3A_0 = arith.constant 0 : index
    %get3A_1 = vector.load %arg2[%get3A, %get3A_0] : memref<2x10240xf32, #tpu.memory_space<vmem>>, vector<1x10240xf32>
    %get3A_2 = vector.shape_cast %get3A_1 : vector<1x10240xf32> to vector<10240xf32>
    %get3A_3 = arith.constant 1 : index
    %get3A_4 = arith.constant 0 : index
    %get3A_5 = vector.load %arg2[%get3A_3, %get3A_4] : memref<2x10240xf32, #tpu.memory_space<vmem>>, vector<1x10240xf32>
    %get3A_6 = vector.shape_cast %get3A_5 : vector<1x10240xf32> to vector<10240xf32>
    %add3A = arith.addf %get3A_2, %get3A_6 : vector<10240xf32>
    %gt3A = arith.constant 0.000000e+00 : f32
    %gt3A_7 = vector.broadcast %gt3A : f32 to vector<10240xf32>
    %gt3A_8 = arith.cmpf ogt, %add3A, %gt3A_7 : vector<10240xf32>
    %rsqrt3A = math.rsqrt %add3A : vector<10240xf32>
    %jit3A = arith.constant 0.000000e+00 : f32
    %broadcast_in_dim3A = vector.broadcast %jit3A : f32 to vector<10240xf32>
    %select_n3A = arith.select %gt3A_8, %rsqrt3A, %broadcast_in_dim3A : vector<10240xi1>, vector<10240xf32>
    %swap3A = arith.constant 0 : index
    %swap3A_9 = vector.load %arg4[%swap3A] : memref<10240xf32, #tpu.memory_space<vmem>>, vector<10240xf32>
    tpu.vector_store %arg4[%swap3A], %select_n3A {strides = array<i32>} : memref<10240xf32, #tpu.memory_space<vmem>>, vector<10240xf32>,
    %get3A_10 = arith.constant 0 : index
    %get3A_11 = arith.constant 0 : index
    %get3A_12 = vector.load %arg0[%get3A_10, %get3A_11] : memref<10000x128xf32, #tpu.memory_space<vmem>>, vector<10000x128xf32>
    %get3A_13 = arith.constant 0 : index
    %get3A_14 = arith.constant 0 : index
    %get3A_15 = vector.load %arg1[%get3A_13, %get3A_14] : memref<128x128xf32, #tpu.memory_space<vmem>>, vector<128x128xf32>
    %dot_general3A = arith.constant dense<0.000000e+00> : vector<10000x128xf32>
    %dot_general3A_16 = tpu.matmul %get3A_12, %get3A_15, %dot_general3A {dimension_numbers = #tpu.dot_dimension_numbers<[1], [0], [0], [1], [0, 0, 1, 1], [], []>, transpose_lhs_hint = false} : vector<10000x128xf32>, vector<128x128xf32>, vector<10000x128xf32> -> vector<10000x128xf32>
    %slice3A = vector.extract_strided_slice %select_n3A {offsets = [0], sizes = [10000], strides = [1]} : vector<10240xf32> to vector<10000xf32>
    %broadcast_in_dim3A_17 = vector.shape_cast %slice3A : vector<10000xf32> to vector<10000x1xf32>
    %mul3A = vector.broadcast %broadcast_in_dim3A_17 : vector<10000x1xf32> to vector<10000x128xf32>
    %mul3A_18 = arith.mulf %dot_general3A_16, %mul3A : vector<10000x128xf32>
    %swap3A_19 = arith.constant 0 : index
    %swap3A_20 = arith.constant 0 : index
    %swap3A_21 = vector.load %arg3[%swap3A_19, %swap3A_20] : memref<10240x128xf32, #tpu.memory_space<vmem>>, vector<10000x128xf32>
    tpu.vector_store %arg3[%swap3A_19, %swap3A_20], %mul3A_18 {strides = array<i32>} : memref<10240x128xf32, #tpu.memory_space<vmem>>, vector<10000x128xf32>,
    %broadcast_in_dim3A_22 = arith.constant 0.000000e+00 : f32
    %broadcast_in_dim3A_23 = vector.broadcast %broadcast_in_dim3A_22 : f32 to vector<240x128xf32>
    %swap3A_24 = arith.constant 10000 : index
    %swap3A_25 = arith.constant 0 : index
    %swap3A_26 = vector.load %arg3[%swap3A_24, %swap3A_25] : memref<10240x128xf32, #tpu.memory_space<vmem>>, vector<240x128xf32>
    tpu.vector_store %arg3[%swap3A_24, %swap3A_25], %broadcast_in_dim3A_23 {strides = array<i32>} : memref<10240x128xf32, #tpu.memory_space<vmem>>, vector<240x128xf32>,
    return
  }
}

module attributes {stable_mosaic.version = 14 : i64} {
  func.func @_tc2_body(%arg0: memref<2x10240x128xf32, #tpu.memory_space<vmem>>, %arg1: memref<10240xf32, #tpu.memory_space<vmem>>, %arg2: memref<128xf32, #tpu.memory_space<vmem>>, %arg3: memref<128x16xf32, #tpu.memory_space<vmem>>, %arg4: memref<10240x16xf32, #tpu.memory_space<vmem>>) attributes {dimension_semantics = [], scalar_prefetch = 0 : i64, scratch_operands = 0 : i64, tpu.core_type = #tpu.core_type<tc>} {
    %get3A = arith.constant 0 : index
    %get3A_0 = vector.load %arg1[%get3A] : memref<10240xf32, #tpu.memory_space<vmem>>, vector<10000xf32>
    %get3A_1 = arith.constant 0 : index
    %get3A_2 = arith.constant 0 : index
    %get3A_3 = arith.constant 0 : index
    %get3A_4 = vector.load %arg0[%get3A_1, %get3A_2, %get3A_3] : memref<2x10240x128xf32, #tpu.memory_space<vmem>>, vector<1x10000x128xf32>
    %get3A_5 = vector.shape_cast %get3A_4 : vector<1x10000x128xf32> to vector<10000x128xf32>
    %get3A_6 = arith.constant 1 : index
    %get3A_7 = arith.constant 0 : index
    %get3A_8 = arith.constant 0 : index
    %get3A_9 = vector.load %arg0[%get3A_6, %get3A_7, %get3A_8] : memref<2x10240x128xf32, #tpu.memory_space<vmem>>, vector<1x10000x128xf32>
    %get3A_10 = vector.shape_cast %get3A_9 : vector<1x10000x128xf32> to vector<10000x128xf32>
    %add3A = arith.addf %get3A_5, %get3A_10 : vector<10000x128xf32>
    %broadcast_in_dim3A = vector.shape_cast %get3A_0 : vector<10000xf32> to vector<10000x1xf32>
    %mul3A = vector.broadcast %broadcast_in_dim3A : vector<10000x1xf32> to vector<10000x128xf32>
    %mul3A_11 = arith.mulf %add3A, %mul3A : vector<10000x128xf32>
    %get3A_12 = arith.constant 0 : index
    %get3A_13 = vector.load %arg2[%get3A_12] : memref<128xf32, #tpu.memory_space<vmem>>, vector<128xf32>
    %broadcast_in_dim3A_14 = vector.shape_cast %get3A_13 : vector<128xf32> to vector<1x128xf32>
    %add3A_15 = vector.broadcast %broadcast_in_dim3A_14 : vector<1x128xf32> to vector<10000x128xf32>
    %add3A_16 = arith.addf %mul3A_11, %add3A_15 : vector<10000x128xf32>
    %max3A = arith.constant 0.000000e+00 : f32
    %max3A_17 = vector.broadcast %max3A : f32 to vector<10000x128xf32>
    %max3A_18 = arith.maximumf %add3A_16, %max3A_17 : vector<10000x128xf32>
    %reduce_sum3A = arith.constant dense<0.000000e+00> : vector<128xf32>
    %reduce_sum3A_19 = vector.multi_reduction <add>, %max3A_18, %reduce_sum3A [0] : vector<10000x128xf32> to vector<128xf32>
    %broadcast_in_dim3A_20 = vector.shape_cast %reduce_sum3A_19 : vector<128xf32> to vector<1x128xf32>
    %div3A = arith.constant 1.000000e+04 : f32
    %div3A_21 = vector.broadcast %div3A : f32 to vector<1x128xf32>
    %div3A_22 = arith.divf %broadcast_in_dim3A_20, %div3A_21 : vector<1x128xf32>
    %sub3A = vector.broadcast %div3A_22 : vector<1x128xf32> to vector<10000x128xf32>
    %sub3A_23 = arith.subf %max3A_18, %sub3A : vector<10000x128xf32>
    %mul3A_24 = arith.mulf %sub3A_23, %sub3A_23 : vector<10000x128xf32>
    %reduce_sum3A_25 = arith.constant dense<0.000000e+00> : vector<10000xf32>
    %reduce_sum3A_26 = vector.multi_reduction <add>, %mul3A_24, %reduce_sum3A_25 [1] : vector<10000x128xf32> to vector<10000xf32>
    %broadcast_in_dim3A_27 = vector.shape_cast %reduce_sum3A_26 : vector<10000xf32> to vector<10000x1xf32>
    %add3A_28 = arith.constant 9.99999997E-7 : f32
    %add3A_29 = vector.broadcast %add3A_28 : f32 to vector<10000x1xf32>
    %add3A_30 = arith.addf %add3A_29, %broadcast_in_dim3A_27 : vector<10000x1xf32>
    %rsqrt3A = math.rsqrt %add3A_30 : vector<10000x1xf32>
    %mul3A_31 = vector.broadcast %rsqrt3A : vector<10000x1xf32> to vector<10000x128xf32>
    %mul3A_32 = arith.mulf %sub3A_23, %mul3A_31 : vector<10000x128xf32>
    %get3A_33 = arith.constant 0 : index
    %get3A_34 = arith.constant 0 : index
    %get3A_35 = vector.load %arg3[%get3A_33, %get3A_34] : memref<128x16xf32, #tpu.memory_space<vmem>>, vector<128x16xf32>
    %dot_general3A = arith.constant dense<0.000000e+00> : vector<10000x16xf32>
    %dot_general3A_36 = tpu.matmul %mul3A_32, %get3A_35, %dot_general3A {dimension_numbers = #tpu.dot_dimension_numbers<[1], [0], [0], [1], [0, 0, 1, 1], [], []>, transpose_lhs_hint = false} : vector<10000x128xf32>, vector<128x16xf32>, vector<10000x16xf32> -> vector<10000x16xf32>
    %broadcast_in_dim3A_37 = vector.shape_cast %get3A_0 : vector<10000xf32> to vector<10000x1xf32>
    %mul3A_38 = vector.broadcast %broadcast_in_dim3A_37 : vector<10000x1xf32> to vector<10000x16xf32>
    %mul3A_39 = arith.mulf %dot_general3A_36, %mul3A_38 : vector<10000x16xf32>
    %swap3A = arith.constant 0 : index
    %swap3A_40 = arith.constant 0 : index
    %swap3A_41 = vector.load %arg4[%swap3A, %swap3A_40] : memref<10240x16xf32, #tpu.memory_space<vmem>>, vector<10000x16xf32>
    tpu.vector_store %arg4[%swap3A, %swap3A_40], %mul3A_39 {strides = array<i32>} : memref<10240x16xf32, #tpu.memory_space<vmem>>, vector<10000x16xf32>,
    %broadcast_in_dim3A_42 = arith.constant 0.000000e+00 : f32
    %broadcast_in_dim3A_43 = vector.broadcast %broadcast_in_dim3A_42 : f32 to vector<240x16xf32>
    %swap3A_44 = arith.constant 10000 : index
    %swap3A_45 = arith.constant 0 : index
    %swap3A_46 = vector.load %arg4[%swap3A_44, %swap3A_45] : memref<10240x16xf32, #tpu.memory_space<vmem>>, vector<240x16xf32>
    tpu.vector_store %arg4[%swap3A_44, %swap3A_45], %broadcast_in_dim3A_43 {strides = array<i32>} : memref<10240x16xf32, #tpu.memory_space<vmem>>, vector<240x16xf32>,
    return
  }
}

module attributes {stable_mosaic.version = 14 : i64} {
  func.func @_tc3_body(%arg0: memref<2x10240x16xf32, #tpu.memory_space<vmem>>, %arg1: memref<10240xf32, #tpu.memory_space<vmem>>, %arg2: memref<16xf32, #tpu.memory_space<vmem>>, %arg3: memref<10000x16xf32, #tpu.memory_space<vmem>>) attributes {dimension_semantics = [], scalar_prefetch = 0 : i64, scratch_operands = 0 : i64, tpu.core_type = #tpu.core_type<tc>} {
    %get3A = arith.constant 0 : index
    %get3A_0 = vector.load %arg1[%get3A] : memref<10240xf32, #tpu.memory_space<vmem>>, vector<10000xf32>
    %get3A_1 = arith.constant 0 : index
    %get3A_2 = arith.constant 0 : index
    %get3A_3 = arith.constant 0 : index
    %get3A_4 = vector.load %arg0[%get3A_1, %get3A_2, %get3A_3] : memref<2x10240x16xf32, #tpu.memory_space<vmem>>, vector<1x10000x16xf32>
    %get3A_5 = vector.shape_cast %get3A_4 : vector<1x10000x16xf32> to vector<10000x16xf32>
    %get3A_6 = arith.constant 1 : index
    %get3A_7 = arith.constant 0 : index
    %get3A_8 = arith.constant 0 : index
    %get3A_9 = vector.load %arg0[%get3A_6, %get3A_7, %get3A_8] : memref<2x10240x16xf32, #tpu.memory_space<vmem>>, vector<1x10000x16xf32>
    %get3A_10 = vector.shape_cast %get3A_9 : vector<1x10000x16xf32> to vector<10000x16xf32>
    %add3A = arith.addf %get3A_5, %get3A_10 : vector<10000x16xf32>
    %broadcast_in_dim3A = vector.shape_cast %get3A_0 : vector<10000xf32> to vector<10000x1xf32>
    %mul3A = vector.broadcast %broadcast_in_dim3A : vector<10000x1xf32> to vector<10000x16xf32>
    %mul3A_11 = arith.mulf %add3A, %mul3A : vector<10000x16xf32>
    %get3A_12 = arith.constant 0 : index
    %get3A_13 = vector.load %arg2[%get3A_12] : memref<16xf32, #tpu.memory_space<vmem>>, vector<16xf32>
    %broadcast_in_dim3A_14 = vector.shape_cast %get3A_13 : vector<16xf32> to vector<1x16xf32>
    %add3A_15 = vector.broadcast %broadcast_in_dim3A_14 : vector<1x16xf32> to vector<10000x16xf32>
    %add3A_16 = arith.addf %mul3A_11, %add3A_15 : vector<10000x16xf32>
    %reduce_sum3A = arith.constant dense<0.000000e+00> : vector<16xf32>
    %reduce_sum3A_17 = vector.multi_reduction <add>, %add3A_16, %reduce_sum3A [0] : vector<10000x16xf32> to vector<16xf32>
    %broadcast_in_dim3A_18 = vector.shape_cast %reduce_sum3A_17 : vector<16xf32> to vector<1x16xf32>
    %div3A = arith.constant 1.000000e+04 : f32
    %div3A_19 = vector.broadcast %div3A : f32 to vector<1x16xf32>
    %div3A_20 = arith.divf %broadcast_in_dim3A_18, %div3A_19 : vector<1x16xf32>
    %sub3A = vector.broadcast %div3A_20 : vector<1x16xf32> to vector<10000x16xf32>
    %sub3A_21 = arith.subf %add3A_16, %sub3A : vector<10000x16xf32>
    %mul3A_22 = arith.mulf %sub3A_21, %sub3A_21 : vector<10000x16xf32>
    %reduce_sum3A_23 = arith.constant dense<0.000000e+00> : vector<10000xf32>
    %reduce_sum3A_24 = vector.multi_reduction <add>, %mul3A_22, %reduce_sum3A_23 [1] : vector<10000x16xf32> to vector<10000xf32>
    %broadcast_in_dim3A_25 = vector.shape_cast %reduce_sum3A_24 : vector<10000xf32> to vector<10000x1xf32>
    %add3A_26 = arith.constant 9.99999997E-7 : f32
    %add3A_27 = vector.broadcast %add3A_26 : f32 to vector<10000x1xf32>
    %add3A_28 = arith.addf %add3A_27, %broadcast_in_dim3A_25 : vector<10000x1xf32>
    %rsqrt3A = math.rsqrt %add3A_28 : vector<10000x1xf32>
    %mul3A_29 = vector.broadcast %rsqrt3A : vector<10000x1xf32> to vector<10000x16xf32>
    %mul3A_30 = arith.mulf %sub3A_21, %mul3A_29 : vector<10000x16xf32>
    %logistic3A = arith.negf %mul3A_30 : vector<10000x16xf32>
    %logistic3A_31 = math.exp %logistic3A : vector<10000x16xf32>
    %logistic3A_32 = arith.constant 1.000000e+00 : f32
    %logistic3A_33 = vector.broadcast %logistic3A_32 : f32 to vector<10000x16xf32>
    %logistic3A_34 = arith.addf %logistic3A_33, %logistic3A_31 : vector<10000x16xf32>
    %logistic3A_35 = arith.divf %logistic3A_33, %logistic3A_34 : vector<10000x16xf32>
    %swap3A = arith.constant 0 : index
    %swap3A_36 = arith.constant 0 : index
    %swap3A_37 = vector.load %arg3[%swap3A, %swap3A_36] : memref<10000x16xf32, #tpu.memory_space<vmem>>, vector<10000x16xf32>
    tpu.vector_store %arg3[%swap3A, %swap3A_36], %logistic3A_35 {strides = array<i32>} : memref<10000x16xf32, #tpu.memory_space<vmem>>, vector<10000x16xf32>,
    return
  }
}

</mosaic_0001>

<sc_bundles>
// kernel: kernel.11.cloned.1.call-start
scs
__scs_entry_jumppad:
0x0: {  	(pc) =	sbr.rel $0x88, $3  }
0x1: {  	(tag) =	ssettag $0x0;
	lr =	simm.s32 $0x1  }
0x2: {  	[smem:$0x3F9B] =	sst lr;
	_ =	strace $0xD0000000  }
0x3: {  	_ = 	snop  }
0x4: {  	_ = 	snop  }
0x5: {  	_ = 	snop  }
0x6: {  	_ = 	snop  }
0x7: {  	_ = 	snop  }
__scs_overlays_trampoline_lowered:
0x8: {  	[smem:$0x3FAA] =	sst s0  }
0x9: {  	[smem:$0x3FAB] =	sst s1  }
0xa: {  	[smem:$0x3FAC] =	sst s2  }
0xb: {  	[smem:$0x3FAD] =	sst s3  }
0xc: {  	[smem:$0x3FAE] =	sst s4  }
0xd: {  	[smem:$0x3FAF] =	sst s5  }
0xe: {  	[smem:$0x3FB0] =	sst s6  }
0xf: {  	[smem:$0x3FB1] =	sst s7  }
0x10: {  	[smem:$0x3FB2] =	sst s8  }
0x11: {  	[smem:$0x3FB3] =	sst s9;
	s0 =	simm.s32 @!p0 $0x0  }
0x12: {  	s1 =	sld [smem:$0x3F99];
	s0 =	simm.s32 @p0 $0x1  }
0x13: {  	[smem:$0x3FB4] =	sst s0;
	s0 =	simm.s32 @!p1 $0x0  }
0x14: {  	s2 =	sld [smem:$0x3F98];
	s0 =	simm.s32 @p1 $0x1  }
0x15: {  	[smem:$0x3FB5] =	sst s0;
	s0 =	simm.s32 @!p2 $0x0  }
0x16: {  	s3 =	sld [smem:$0x3FDB];
	s0 =	simm.s32 @p2 $0x1  }
0x17: {  	s4 =	simm.s32 $0x1BF5;
	[smem:$0x3FB7] =	sst s0  }
0x18: {  	s0 =	sld [smem:$0x3F9A];
	_ =	swait.ge [sflag:s4], $0x0  }
0x19: {  	s7 =	sld [smem:$0x3F9B]  }
0x1a: {  	s8 =	sadd.s32 $0xFFFFE003, lr  }
0x1b: {  	s9 =	sadd.s32 $0xFFFFFEF7, lr;
	s5 =	simm.s32 $0xFFFFFFFF;
	p2 =	slt.u32 s8, $0xFFFFF086  }
0x1c: {  	p1 =	slt.u32 s9, $0xF7A;
	s5 =	simm.s32 @!p2 $0x0  }
0x1d: {  	s5 =	simm.s32 @p1 $0x1;
	p0 =	seq.s32 s7, s2  }
0x1e: {  	s7 =	smul.u32 @!p0 $0xF7A, s2;
	p2 =	seq.s32 @!p0 s5, $0x0  }
0x1f: {  	s9 =	smul.u32 $0xF7A, s1;
	s8 =	simm.s32 @!p0 $0x1BF5;
	p2 =	por !p2, p0  }
0x20: {  	[sflag:s8] =	ssyncset.s32 @!p0 $0xFFFFF086;
	s6 =	sadd.s32 @!p0 s3, s7;
	s7 =	simm.s32 @!p0 $0x108  }
0x21: {  	s3 =	sadd.s32 s3, s9;
	s6 =	sadd.s32 @!p0 $0x88, s6;
	s7 =	simm.s32 @p2 $0x1082  }
0x22: {  	[simem:s7], [sflag:s8] =	dma.local @!p0 [hbm:s6], $0xF7A  }
0x23: {  	s9 =	sor.u32 $0xD0000000, s2;
	s6 =	simm.s32 $0x108;
	_ =	swait.ge @!p0 [sflag:s8], $0x0  }
0x24: {  	s3 =	sadd.s32 $0x88, s3;
	s6 =	simm.s32 @!p1 $0x1082;
	[sflag:s4] =	ssyncset.s32 $0xFFFFF086  }
0x25: {  	[simem:s6], [sflag:s4] =	dma.local [hbm:s3], $0xF7A  }
0x26: {  	[smem:$0x3F9B] =	sst s1;
	(tag) =	ssettag s2;
	_ =	strace s9  }
0x27: {  	s1 =	sld [smem:$0x3FAB]  }
0x28: {  	s2 =	sld [smem:$0x3FAC]  }
0x29: {  	s4 =	sld [smem:$0x3FAE]  }
0x2a: {  	p0 =	seq.s32 s5, $0x0;
	s5 =	sld [smem:$0x3FAF]  }
0x2b: {  	s6 =	sld [smem:$0x3FB0]  }
0x2c: {  	s7 =	sld [smem:$0x3FB1]  }
0x2d: {  	s3 =	simm.s32 $0x108;
	s8 =	sld [smem:$0x3FB2]  }
0x2e: {  	s3 =	simm.s32 @!p0 $0x1082;
	s9 =	sld [smem:$0x3FB3]  }
0x2f: {  	lr =	sadd.s32 s0, s3;
	s0 =	sld [smem:$0x3FAA]  }
0x30: {  	s3 =	sld [smem:$0x3FAD]  }
0x31: {  	[smem:$0x3FB6] =	sst s10  }
0x32: {  	s10 =	sld [smem:$0x3FB4];
	_ =	sdelay $0x3  }
0x33: {  	p0 =	seq.s32 s10, $0x1;
	s10 =	sld [smem:$0x3FB6];
	_ =	sdelay $0x3  }
0x34: {  	[smem:$0x3FB6] =	sst s10  }
0x35: {  	s10 =	sld [smem:$0x3FB5];
	_ =	sdelay $0x3  }
0x36: {  	p1 =	seq.s32 s10, $0x1;
	s10 =	sld [smem:$0x3FB6];
	_ =	sdelay $0x3  }
0x37: {  	[smem:$0x3FB6] =	sst s10  }
0x38: {  	s10 =	sld [smem:$0x3FB7]  }
0x39: {  	_ = 	snop;
	(pc) =	sbr.ind lr, $3  }
0x3a: {  	_ = 	snop  }
0x3b: {  	_ = 	snop  }
0x3c: {  	p2 =	seq.s32 s10, $0x1;
	s10 =	sld [smem:$0x3FB6]  }
0x3d: {  	_ =	shalt  }
0x3e: {  	_ =	shalt  }
0x3f: {  	_ =	shalt  }
0x40: {  	_ =	shalt  }
0x41: {  	_ =	shalt  }
0x42: {  	_ =	shalt  }
0x43: {  	_ =	shalt  }
0x44: {  	_ =	shalt  }
0x45: {  	_ =	shalt  }
0x46: {  	_ =	shalt  }
0x47: {  	_ =	shalt  }
0x48: {  	_ =	shalt  }
0x49: {  	_ =	shalt  }
0x4a: {  	_ =	shalt  }
0x4b: {  	_ =	shalt  }
0x4c: {  	_ =	shalt  }
0x4d: {  	_ =	shalt  }
0x4e: {  	_ =	shalt  }
0x4f: {  	_ =	shalt  }
0x50: {  	_ =	shalt  }
0x51: {  	_ =	shalt  }
0x52: {  	_ =	shalt  }
0x53: {  	_ =	shalt  }
0x54: {  	_ =	shalt  }
0x55: {  	_ =	shalt  }
0x56: {  	_ =	shalt  }
0x57: {  	_ =	shalt  }
0x58: {  	_ =	shalt  }
0x59: {  	_ =	shalt  }
0x5a: {  	_ =	shalt  }
0x5b: {  	_ =	shalt  }
0x5c: {  	_ =	shalt  }
0x5d: {  	_ =	shalt  }
0x5e: {  	_ =	shalt  }
0x5f: {  	_ =	shalt  }
0x60: {  	_ =	shalt  }
0x61: {  	_ =	shalt  }
0x62: {  	_ =	shalt  }
0x63: {  	_ =	shalt  }
0x64: {  	_ =	shalt  }
0x65: {  	_ =	shalt  }
0x66: {  	_ =	shalt  }
0x67: {  	_ =	shalt  }
0x68: {  	_ =	shalt  }
0x69: {  	_ =	shalt  }
0x6a: {  	_ =	shalt  }
0x6b: {  	_ =	shalt  }
0x6c: {  	_ =	shalt  }
0x6d: {  	_ =	shalt  }
0x6e: {  	_ =	shalt  }
0x6f: {  	_ =	shalt  }
0x70: {  	_ =	shalt  }
0x71: {  	_ =	shalt  }
0x72: {  	_ =	shalt  }
0x73: {  	_ =	shalt  }
0x74: {  	_ =	shalt  }
0x75: {  	_ =	shalt  }
0x76: {  	_ =	shalt  }
0x77: {  	_ =	shalt  }
0x78: {  	_ =	shalt  }
0x79: {  	_ =	shalt  }
0x7a: {  	_ =	shalt  }
0x7b: {  	_ =	shalt  }
0x7c: {  	_ =	shalt  }
0x7d: {  	_ =	shalt  }
0x7e: {  	_ =	shalt  }
0x7f: {  	_ =	shalt  }
0x80: {  	_ =	shalt  }
0x81: {  	_ =	shalt  }
0x82: {  	_ =	shalt  }
0x83: {  	_ =	shalt  }
0x84: {  	_ =	shalt  }
0x85: {  	_ =	shalt  }
0x86: {  	_ =	shalt  }
0x87: {  	_ =	shalt  }
.Lfunc_end0:
.L_simem_size_0:
called_computation.1_lowered:
.L_overlay_start_0:
0x88: {  	s2 =	sld [smem:$0x3FD9]  }
0x89: {  	s3 =	sld [smem:$0x3FFE];
	_ =	sdelay $0x1  }
0x8a: {  	s1 =	srdreg.scid  }
0x8b: {  	s0 =	sand.u32 $0x1, s1  }
0x8c: {  	s16 =	sshll.u32 s0, $0xA;
	s2 =	sadd.s32 s3, s2  }
0x8d: {  	s2 =	sadd.s32 s2, s16  }
0x8e: {  	[smem:$0x3FC2] =	sst s2  }
0x8f: {  	_ = 	snop  }
0x90: {  	(tm) =	ssettm $0x1  }
0x91: {  	s17 =	sld [smem:$0x3FFB];
	_ =	sdelay $0x3  }
0x92: {  	_ =	strace s17  }
0x93: {  	s2 =	sld [smem:$0x3FFC];
	_ =	sdelay $0x3  }
0x94: {  	_ =	strace s2  }
0x95: {  	s2 =	sld [smem:$0x3FFD];
	_ =	sdelay $0x3  }
0x96: {  	_ =	strace s2  }
0x97: {  	_ =	strace $0x8FFFFFFF  }
0x98: {  	s18 =	sld [smem:$0x3FDB];
	_ =	sdelay $0x1  }
0x99: {  	s19 =	simm.s32 $_scs_section_size  }
0x9a: {  	s4 =	simm.s32 $_size__tile_overlayer_lowered;
	s5 =	simm.s32 $_tile_overlayer_lowered  }
0x9b: {  	s22 =	simm.s32 $0x1BFF;
	s21 =	sshll.u32 s5, $0x1;
	s2 =	sadd.s32 s19, s18  }
0x9c: {  	s6 =	simm.s32 $0x0;
	s20 =	sshll.u32 s4, $0x1;
	s4 =	sadd.s32 s21, s2  }
0x9d: {  	[timem:s6], [sflag:s22] =	dma.local [hbm:s4], s20  }
0x9e: {  	_ =	swait.ge [sflag:s22], s20  }
0x9f: {  	s3 =	ssub.s32 $0x0, s20;
	[sflag:s22] =	ssyncset.done $0x0  }
0xa0: {  	[sflag:s22] =	ssyncadd.s32 s3;
	_ =	sdelay $0x1  }
0xa1: {  	s23 =	simm.s32 $0x1B8B  }
0xa2: {  	_ =	swait.ge [sflag:s23], $0x1  }
0xa3: {  	[sflag:s23] =	ssyncset.done $0x0  }
0xa4: {  	s25 =	simm.s32 $0x1B8E;
	s24 =	sld [smem:$0x3FFE];
	[sflag:s23] =	ssyncadd.s32 $0xFFFFFFFF  }
0xa5: {  	s26 =	simm.s32 $execute0_lowered;
	[smem:$0x3FD2] =	sst s25  }
0xa6: {  	s4 =	sshll.u32 s26, $0x1;
	_ =	strace $0x80000049;
	[dreg:$0x1] =	wrdreg $0xFFFFFFFF  }
0xa7: {  	s28 =	simm.s32 $_size_execute0_lowered;
	s2 =	sadd.s32 s2, s4;
	[dreg:$0x0] =	wrdreg $0x0  }
0xa8: {  	s4 =	sshll.u32 s28, $0x1;
	[dreg:$0x2] =	wrdreg s2  }
0xa9: {  	[dreg:$0x3] =	wrdreg s4  }
0xaa: {  	[dreg:$0x4] =	wrdreg $0xC0  }
0xab: {  	_ =	task [dreg:s6], $0x5FFFF  }
0xac: {  	[dreg:$0x1] =	wrdreg $0xFFFFFFFF  }
0xad: {  	[dreg:$0x0] =	wrdreg $0x60  }
0xae: {  	[dreg:$0x2] =	wrdreg s24  }
0xaf: {  	[dreg:$0x3] =	wrdreg $0x98000  }
0xb0: {  	[dreg:$0x4] =	wrdreg $0x9  }
0xb1: {  	_ =	task.clear_ibuf [dreg:s6], $0x5FFFF;
	_ =	strace $0x90000049  }
0xb2: {  	s29 =	simm.s32 $0x9;
	_ =	strace $0x8000004B  }
0xb3: {  	_ =	swait.ge [sflag:s29], $0x1  }
0xb4: {  	[sflag:s29] =	ssyncadd.s32 $0xFFFFFFFF  }
0xb5: {  	_ =	strace $0x9000004B  }
0xb6: {  	_ =	sfence  }
0xb7: {  	s30 =	sld [smem:$0x0];
	_ =	sdelay $0x2  }
0xb8: {  	s31 =	sshll.u32 s1, $0xD;
	s1 =	sshrl.u32 s1, $0x2  }
0xb9: {  	s3 =	sand.u32 $0x4000, s31;
	s1 =	sadd.s32 s1, s30  }
0xba: {  	s0 =	sor.u32 s3, s0;
	s1 =	sshll.u32 s1, $0x11  }
0xbb: {  	s0 =	sor.u32 s1, s0  }
0xbc: {  	s0 =	sadd.s32 $0x8F2B, s0  }
0xbd: {  	[sflag:s0] =	ssyncadd.remote.s32 $0x1  }
0xbe: {  	_ =	sfence.sel $0xFFFF  }
0xbf: {  	[dreg:$0x0] =	wrdreg $0xFFFFFFFF;
	(pc) =	sbr.abs _section_cstart, $3  }
0xc0: {  	[dreg:$0x1] =	wrdreg $0xFFFFFFFF  }
0xc1: {  	_ =	task.clear_ibuf [dreg:s6], $0x2FFFF;
	_ =	strace $0x9FFFFFFF  }
0xc2: {  	(tm) =	ssettm $0x7FFFFFFF  }
0xc3: {  	_ =	shalt  }
tec
execute0_lowered:
.L_overlay_start_1:
0x0: {  	(tag) =	ssettag $0x1  }
0x1: {  	s0 =	srdreg.scid;
	s6 =	rddreg [dreg:$0x0]  }
0x2: {  	s2 =	rddreg [dreg:$0x1];
	s3 =	simm.s32 $0x0;
	s14 =	simm.s32 $0x5800  }
0x3: {  	s15 =	simm.s32 $0x2;
	s16 =	simm.s32 $0x2C00;
	s5 =	sand.u32 $0x1, s0  }
0x4: {  	s17 =	simm.s32 $0x80;
	s0 =	stileid.u32;
	s8 =	smul.u32 $0x140000, s5  }
0x5: {  	s18 =	simm.s32 $0x1;
	[smem:$0x7FF] =	sst s3;
	s9 =	smul.u32 $0x14000, s0  }
0x6: {  	s4 =	sadd.s32 $0x2C400, s6;
	s1 =	sshll.u32 s5, $0x4;
	s10 =	smul.u32 $0x50000, s0  }
0x7: {  	s29 =	ssub.s32 $0x2, s5;
	s19 =	sshll.u32 s0, $0x6;
	s1 =	sor.u32 s0, s1  }
0x8: {  	s31 =	sshrl.u32 s29, $0x1;
	s19 =	sor.u32 $0x1C02, s19;
	s7 =	smul.u32 $0x580, s1  }
0x9: {  	s1 =	rddreg [dreg:$0x2];
	_ =	strace $0x8000004A;
	s30 =	sshrl.u32 s10, $0x2  }
0xa: {  	s28 =	sadd.s32 s9, s8;
	s13 =	ssub.s32 s29, s31;
	s5 =	sadd.s32 s30, s2  }
0xb: {  	s13 =	smax.u32 s13, $0x1;
	s11 =	sadd.s32 s7, s6;
	s7 =	sshrl.u32 s28, $0x3  }
0xc: {  	s8 =	sadd.s32 $0xC000, s5;
	s9 =	sadd.s32 $0x10000, s5;
	s20 =	sshrl.u32 s5, $0x3  }
0xd: {  	s12 =	sadd.s32 s7, s6;
	s6 =	sadd.s32 $0x4000, s5;
	s7 =	sadd.s32 $0x8000, s5  }
0xe: {  	v0 =	vimm.f32 $0.0e+00;
	s10 =	sadd.s32 $0x21400, s11;
	s11 =	sadd.s32 $0xC200, s11;
	s12 =	sadd.s32 $0x54400, s12  }
.LBB2_1:
0xf: {  	s21 =	simm.s32 $0x0;
	s22 =	simm.s32 $0x200  }
.LBB2_2:
0x10: {  	p0 =	sne.s32 s22, $0xFE00;
	[tilespmem:s21+$0x5870] =	vst v0  }
0x11: {  	[tilespmem:s21+$0x5800] =	vst v0  }
0x12: {  	[tilespmem:s21+$0x5810] =	vst v0  }
.Ltmp0:
0x13: {  	[tilespmem:s21+$0x5820] =	vst v0;
	(pc) =	sbr.rel @p0 .LBB2_2-.Ltmp0, $4  }
0x14: {  	[tilespmem:s21+$0x5830] =	vst v0  }
0x15: {  	[tilespmem:s21+$0x5840] =	vst v0  }
0x16: {  	[tilespmem:s21+$0x5850] =	vst v0  }
0x17: {  	[tilespmem:s21+$0x5860] =	vst v0;
	s21 =	sshra.s32 s22, $0x2;
	s22 =	sadd.s32 $0x200, s22  }
0x18: {  	[tilespmem:s21+$0x5870] =	vst v0  }
0x19: {  	[tilespmem:s21+$0x5800] =	vst v0  }
0x1a: {  	[tilespmem:s21+$0x5810] =	vst v0  }
0x1b: {  	[tilespmem:s21+$0x5820] =	vst v0  }
0x1c: {  	[tilespmem:s21+$0x5830] =	vst v0  }
0x1d: {  	[tilespmem:s21+$0x5840] =	vst v0  }
0x1e: {  	[tilespmem:s21+$0x5850] =	vst v0  }
0x1f: {  	[tilespmem:s21+$0x5860] =	vst v0  }
0x20: {  	[spmem:s5] =	stream.linear.scatter [tilespmem:s14], [sflag:$0x2], $0x4000, $0x38;
	[tilespmem:$0x1D800] =	vst v63  }
0x21: {  	_ =	swait.ge [sflag:s15], $0x4000  }
0x22: {  	[sflag:s15] =	ssyncset.done $0x0  }
0x23: {  	[sflag:s15] =	ssyncadd.s32 $0xFFFFC000  }
0x24: {  	[spmem:s6] =	stream.linear.scatter [tilespmem:s14], [sflag:$0x2], $0x4000, $0x38;
	[tilespmem:$0x1D800] =	vst v63  }
0x25: {  	_ =	swait.ge [sflag:s15], $0x4000  }
0x26: {  	[sflag:s15] =	ssyncset.done $0x0  }
0x27: {  	[sflag:s15] =	ssyncadd.s32 $0xFFFFC000  }
0x28: {  	[spmem:s7] =	stream.linear.scatter [tilespmem:s14], [sflag:$0x2], $0x4000, $0x38;
	[tilespmem:$0x1D800] =	vst v63  }
0x29: {  	_ =	swait.ge [sflag:s15], $0x4000  }
0x2a: {  	[sflag:s15] =	ssyncset.done $0x0  }
0x2b: {  	[sflag:s15] =	ssyncadd.s32 $0xFFFFC000  }
0x2c: {  	[spmem:s8] =	stream.linear.scatter [tilespmem:s14], [sflag:$0x2], $0x4000, $0x38;
	[tilespmem:$0x1D800] =	vst v63  }
0x2d: {  	_ =	swait.ge [sflag:s15], $0x4000  }
0x2e: {  	[sflag:s15] =	ssyncset.done $0x0  }
0x2f: {  	[sflag:s15] =	ssyncadd.s32 $0xFFFFC000  }
0x30: {  	[spmem:s9] =	stream.linear.scatter [tilespmem:s14], [sflag:$0x2], $0x4000, $0x38;
	[tilespmem:$0x1D800] =	vst v63  }
0x31: {  	_ =	swait.ge [sflag:s15], $0x4000  }
0x32: {  	[sflag:s15] =	ssyncset.done $0x0  }
0x33: {  	s29 =	simm.s32 $0x0;
	[sflag:s15] =	ssyncadd.s32 $0xFFFFC000  }
0x34: {  	[tilespmem:s29], [sflag:$0x2] =	stream.linear.gather [hbm4b:s10+s29], $0x2880, $0x38;
	[tilespmem:$0x1D800] =	vst v63  }
0x35: {  	_ =	swait.ge [sflag:s15], $0x2880  }
0x36: {  	[sflag:s15] =	ssyncset.done $0x0  }
0x37: {  	[sflag:s15] =	ssyncadd.s32 $0xFFFFD780  }
0x38: {  	[tilespmem:s16], [sflag:$0x2] =	stream.linear.gather [hbm4b:s11+s29], $0x2880, $0x38;
	[tilespmem:$0x1D800] =	vst v63  }
0x39: {  	_ =	swait.ge [sflag:s15], $0x2880  }
0x3a: {  	[sflag:s15] =	ssyncset.done $0x0  }
0x3b: {  	[sflag:s15] =	ssyncadd.s32 $0xFFFFD780  }
0x3c: {  	s30 =	simm.s32 $0x0;
	[bflag:$0x0] =	sbarrier.arrive $0xFFFF  }
0x3d: {  	[tilespmem:s14], [sflag:$0x1] =	stream.indirect.gather [hbm4b:s4+s17], $0x80, s30, s17, $0xb8;
	[tilespmem:$0x1D800] =	vst v63  }
0x3e: {  	_ =	swait.ge [sflag:s18], $0x4000  }
0x3f: {  	[sflag:s18] =	ssyncset.done $0x0  }
0x40: {  	s31 =	simm.s32 $0x2C00;
	[sflag:s18] =	ssyncadd.s32 $0xFFFFC000  }
0x41: {  	[spmem:s2] =	stream.indirect.scatter.add.f32 [tilespmem:s14], [sflag:$0x2], $0x80, s31, s17, $0xb8;
	[tilespmem:$0x1D800] =	vst v63  }
0x42: {  	_ =	swait.ge [sflag:s15], $0x4000  }
0x43: {  	s21 =	simm.s32 $0x200;
	s22 =	simm.s32 $0x400;
	[sflag:s15] =	ssyncset.done $0x0  }
.LBB2_4:
0x44: {  	s23 =	sshra.s32 s21, $0x2  }
0x45: {  	[sflag:s15] =	ssyncadd.s32 $0xFFFFC000;
	s21 =	smov.u32 s22;
	s24 =	sadd.s32 $0x200, s22  }
0x46: {  	[tilespmem:s14], [sflag:$0x1] =	stream.indirect.gather [hbm4b:s4+s17], $0x80, s23, s17, $0xb8;
	[tilespmem:$0x1D800] =	vst v63  }
0x47: {  	p0 =	sne.s32 s22, $0xA000;
	_ =	swait.ge [sflag:s18], $0x4000  }
.Ltmp1:
0x48: {  	[sflag:s18] =	ssyncset.done $0x0;
	(pc) =	sbr.rel @p0 .LBB2_4-.Ltmp1, $4  }
0x49: {  	s22 =	sadd.s32 $0x2C00, s23;
	[sflag:s18] =	ssyncadd.s32 $0xFFFFC000  }
0x4a: {  	[spmem:s2] =	stream.indirect.scatter.add.f32 [tilespmem:s14], [sflag:$0x2], $0x80, s22, s17, $0xb8;
	[tilespmem:$0x1D800] =	vst v63  }
0x4b: {  	_ =	swait.ge [sflag:s15], $0x4000  }
0x4c: {  	s22 =	smov.u32 s24;
	[sflag:s15] =	ssyncset.done $0x0  }
0x4d: {  	s21 =	sshra.s32 s21, $0x2;
	[sflag:s15] =	ssyncadd.s32 $0xFFFFC000  }
0x4e: {  	[tilespmem:s14], [sflag:$0x1] =	stream.indirect.gather [hbm4b:s4+s17], $0x80, s21, s17, $0xb8;
	[tilespmem:$0x1D800] =	vst v63  }
0x4f: {  	_ =	swait.ge [sflag:s18], $0x4000  }
0x50: {  	[sflag:s18] =	ssyncset.done $0x0  }
0x51: {  	s21 =	sadd.s32 $0x2C00, s21;
	[sflag:s18] =	ssyncadd.s32 $0xFFFFC000  }
0x52: {  	[spmem:s2] =	stream.indirect.scatter.add.f32 [tilespmem:s14], [sflag:$0x2], $0x80, s21, s17, $0xb8;
	[tilespmem:$0x1D800] =	vst v63  }
0x53: {  	_ =	swait.ge [sflag:s15], $0x4000  }
0x54: {  	s3 =	sadd.s32 $0x1, s3;
	[sflag:s15] =	ssyncset.done $0x0  }
0x55: {  	p0 =	sne.s32 s3, s13;
	[sflag:s15] =	ssyncadd.s32 $0xFFFFC000  }
.Ltmp2:
0x56: {  	[bflag:$0x0] =	sbarrier.arrive $0xFFFF;
	(pc) =	sbr.rel @p0 .LBB2_1-.Ltmp2, $4  }
0x57: {  	[hbm:s12], [sflag:s19] =	dma.local [spmem:s20], $0x2800  }
0x58: {  	_ =	swait.ge [sflag:s15], $0x2800  }
0x59: {  	[sflag:s15] =	ssyncset.done $0x0  }
0x5a: {  	[sflag:s15] =	ssyncadd.s32 $0xFFFFD800  }
0x5b: {  	_ =	sfence.sel $0x180000  }
0x5c: {  	[bflag:$0x0] =	sbarrier.arrive $0xFFFF  }
0x5d: {  	p0 =	sne.s32 s0, $0x0;
	_ =	strace $0x9000004A  }
0x5e: {  	s0 =	sadd.s32 @!p0 $0x100000, s1;
	[bflag:$0x2] =	sbarrier.arrive $0xFFFF  }
0x5f: {  	[sflag:s0] =	ssyncadd.tile.s32 @!p0 $0x1;
	_ =	shalt  }
.Lfunc_end2:
_tile_overlayer_lowered:
.L_overlay_start_2:
0x60: {  	(tag) =	ssettag $0x2  }
0x61: {  	s0 =	rddreg [dreg:$0x0];
	s2 =	stileid.u32  }
0x62: {  	s1 =	rddreg [dreg:$0x1];
	p0 =	sne.s32 s2, $0x0  }
0x63: {  	s3 =	rddreg [dreg:$0x2];
	[bflag:$0x3] =	sbarrier.arrive $0xFFFF;
	s2 =	simm.s32 @!p0 $0x1C02  }
0x64: {  	[timem:s3], [sflag:s2] =	dma.local @!p0 [hbm:s0], s1  }
0x65: {  	s0 =	simm.s32 @!p0 $0x2  }
0x66: {  	_ =	swait.ge @!p0 [sflag:s0], s1  }
0x67: {  	s1 =	ssub.s32 @!p0 $0x0, s1;
	[sflag:s0] =	ssyncset.done @!p0 $0x0  }
0x68: {  	[sflag:s0] =	ssyncadd.s32 @!p0 s1  }
0x69: {  	[bflag:$0x3] =	sbarrier.arrive $0xFFFF  }
0x6a: {  	_ =	shalt  }

// kernel: kernel.14.cloned.1.call-start
scs
__scs_entry_jumppad:
0x0: {  	(pc) =	sbr.rel $0x88, $3  }
0x1: {  	(tag) =	ssettag $0x0;
	lr =	simm.s32 $0x1  }
0x2: {  	[smem:$0x3F9B] =	sst lr;
	_ =	strace $0xD0000000  }
0x3: {  	_ = 	snop  }
0x4: {  	_ = 	snop  }
0x5: {  	_ = 	snop  }
0x6: {  	_ = 	snop  }
0x7: {  	_ = 	snop  }
__scs_overlays_trampoline_lowered:
0x8: {  	[smem:$0x3FAA] =	sst s0  }
0x9: {  	[smem:$0x3FAB] =	sst s1  }
0xa: {  	[smem:$0x3FAC] =	sst s2  }
0xb: {  	[smem:$0x3FAD] =	sst s3  }
0xc: {  	[smem:$0x3FAE] =	sst s4  }
0xd: {  	[smem:$0x3FAF] =	sst s5  }
0xe: {  	[smem:$0x3FB0] =	sst s6  }
0xf: {  	[smem:$0x3FB1] =	sst s7  }
0x10: {  	[smem:$0x3FB2] =	sst s8  }
0x11: {  	[smem:$0x3FB3] =	sst s9;
	s0 =	simm.s32 @!p0 $0x0  }
0x12: {  	s1 =	sld [smem:$0x3F99];
	s0 =	simm.s32 @p0 $0x1  }
0x13: {  	[smem:$0x3FB4] =	sst s0;
	s0 =	simm.s32 @!p1 $0x0  }
0x14: {  	s2 =	sld [smem:$0x3F98];
	s0 =	simm.s32 @p1 $0x1  }
0x15: {  	[smem:$0x3FB5] =	sst s0;
	s0 =	simm.s32 @!p2 $0x0  }
0x16: {  	s3 =	sld [smem:$0x3FDB];
	s0 =	simm.s32 @p2 $0x1  }
0x17: {  	s4 =	simm.s32 $0x1BF5;
	[smem:$0x3FB7] =	sst s0  }
0x18: {  	s0 =	sld [smem:$0x3F9A];
	_ =	swait.ge [sflag:s4], $0x0  }
0x19: {  	s7 =	sld [smem:$0x3F9B]  }
0x1a: {  	s8 =	sadd.s32 $0xFFFFE003, lr  }
0x1b: {  	s9 =	sadd.s32 $0xFFFFFEF7, lr;
	s5 =	simm.s32 $0xFFFFFFFF;
	p2 =	slt.u32 s8, $0xFFFFF086  }
0x1c: {  	p1 =	slt.u32 s9, $0xF7A;
	s5 =	simm.s32 @!p2 $0x0  }
0x1d: {  	s5 =	simm.s32 @p1 $0x1;
	p0 =	seq.s32 s7, s2  }
0x1e: {  	s7 =	smul.u32 @!p0 $0xF7A, s2;
	p2 =	seq.s32 @!p0 s5, $0x0  }
0x1f: {  	s9 =	smul.u32 $0xF7A, s1;
	s8 =	simm.s32 @!p0 $0x1BF5;
	p2 =	por !p2, p0  }
0x20: {  	[sflag:s8] =	ssyncset.s32 @!p0 $0xFFFFF086;
	s6 =	sadd.s32 @!p0 s3, s7;
	s7 =	simm.s32 @!p0 $0x108  }
0x21: {  	s3 =	sadd.s32 s3, s9;
	s6 =	sadd.s32 @!p0 $0x88, s6;
	s7 =	simm.s32 @p2 $0x1082  }
0x22: {  	[simem:s7], [sflag:s8] =	dma.local @!p0 [hbm:s6], $0xF7A  }
0x23: {  	s9 =	sor.u32 $0xD0000000, s2;
	s6 =	simm.s32 $0x108;
	_ =	swait.ge @!p0 [sflag:s8], $0x0  }
0x24: {  	s3 =	sadd.s32 $0x88, s3;
	s6 =	simm.s32 @!p1 $0x1082;
	[sflag:s4] =	ssyncset.s32 $0xFFFFF086  }
0x25: {  	[simem:s6], [sflag:s4] =	dma.local [hbm:s3], $0xF7A  }
0x26: {  	[smem:$0x3F9B] =	sst s1;
	(tag) =	ssettag s2;
	_ =	strace s9  }
0x27: {  	s1 =	sld [smem:$0x3FAB]  }
0x28: {  	s2 =	sld [smem:$0x3FAC]  }
0x29: {  	s4 =	sld [smem:$0x3FAE]  }
0x2a: {  	p0 =	seq.s32 s5, $0x0;
	s5 =	sld [smem:$0x3FAF]  }
0x2b: {  	s6 =	sld [smem:$0x3FB0]  }
0x2c: {  	s7 =	sld [smem:$0x3FB1]  }
0x2d: {  	s3 =	simm.s32 $0x108;
	s8 =	sld [smem:$0x3FB2]  }
0x2e: {  	s3 =	simm.s32 @!p0 $0x1082;
	s9 =	sld [smem:$0x3FB3]  }
0x2f: {  	lr =	sadd.s32 s0, s3;
	s0 =	sld [smem:$0x3FAA]  }
0x30: {  	s3 =	sld [smem:$0x3FAD]  }
0x31: {  	[smem:$0x3FB6] =	sst s10  }
0x32: {  	s10 =	sld [smem:$0x3FB4];
	_ =	sdelay $0x3  }
0x33: {  	p0 =	seq.s32 s10, $0x1;
	s10 =	sld [smem:$0x3FB6];
	_ =	sdelay $0x3  }
0x34: {  	[smem:$0x3FB6] =	sst s10  }
0x35: {  	s10 =	sld [smem:$0x3FB5];
	_ =	sdelay $0x3  }
0x36: {  	p1 =	seq.s32 s10, $0x1;
	s10 =	sld [smem:$0x3FB6];
	_ =	sdelay $0x3  }
0x37: {  	[smem:$0x3FB6] =	sst s10  }
0x38: {  	s10 =	sld [smem:$0x3FB7]  }
0x39: {  	_ = 	snop;
	(pc) =	sbr.ind lr, $3  }
0x3a: {  	_ = 	snop  }
0x3b: {  	_ = 	snop  }
0x3c: {  	p2 =	seq.s32 s10, $0x1;
	s10 =	sld [smem:$0x3FB6]  }
0x3d: {  	_ =	shalt  }
0x3e: {  	_ =	shalt  }
0x3f: {  	_ =	shalt  }
0x40: {  	_ =	shalt  }
0x41: {  	_ =	shalt  }
0x42: {  	_ =	shalt  }
0x43: {  	_ =	shalt  }
0x44: {  	_ =	shalt  }
0x45: {  	_ =	shalt  }
0x46: {  	_ =	shalt  }
0x47: {  	_ =	shalt  }
0x48: {  	_ =	shalt  }
0x49: {  	_ =	shalt  }
0x4a: {  	_ =	shalt  }
0x4b: {  	_ =	shalt  }
0x4c: {  	_ =	shalt  }
0x4d: {  	_ =	shalt  }
0x4e: {  	_ =	shalt  }
0x4f: {  	_ =	shalt  }
0x50: {  	_ =	shalt  }
0x51: {  	_ =	shalt  }
0x52: {  	_ =	shalt  }
0x53: {  	_ =	shalt  }
0x54: {  	_ =	shalt  }
0x55: {  	_ =	shalt  }
0x56: {  	_ =	shalt  }
0x57: {  	_ =	shalt  }
0x58: {  	_ =	shalt  }
0x59: {  	_ =	shalt  }
0x5a: {  	_ =	shalt  }
0x5b: {  	_ =	shalt  }
0x5c: {  	_ =	shalt  }
0x5d: {  	_ =	shalt  }
0x5e: {  	_ =	shalt  }
0x5f: {  	_ =	shalt  }
0x60: {  	_ =	shalt  }
0x61: {  	_ =	shalt  }
0x62: {  	_ =	shalt  }
0x63: {  	_ =	shalt  }
0x64: {  	_ =	shalt  }
0x65: {  	_ =	shalt  }
0x66: {  	_ =	shalt  }
0x67: {  	_ =	shalt  }
0x68: {  	_ =	shalt  }
0x69: {  	_ =	shalt  }
0x6a: {  	_ =	shalt  }
0x6b: {  	_ =	shalt  }
0x6c: {  	_ =	shalt  }
0x6d: {  	_ =	shalt  }
0x6e: {  	_ =	shalt  }
0x6f: {  	_ =	shalt  }
0x70: {  	_ =	shalt  }
0x71: {  	_ =	shalt  }
0x72: {  	_ =	shalt  }
0x73: {  	_ =	shalt  }
0x74: {  	_ =	shalt  }
0x75: {  	_ =	shalt  }
0x76: {  	_ =	shalt  }
0x77: {  	_ =	shalt  }
0x78: {  	_ =	shalt  }
0x79: {  	_ =	shalt  }
0x7a: {  	_ =	shalt  }
0x7b: {  	_ =	shalt  }
0x7c: {  	_ =	shalt  }
0x7d: {  	_ =	shalt  }
0x7e: {  	_ =	shalt  }
0x7f: {  	_ =	shalt  }
0x80: {  	_ =	shalt  }
0x81: {  	_ =	shalt  }
0x82: {  	_ =	shalt  }
0x83: {  	_ =	shalt  }
0x84: {  	_ =	shalt  }
0x85: {  	_ =	shalt  }
0x86: {  	_ =	shalt  }
0x87: {  	_ =	shalt  }
.Lfunc_end0:
.L_simem_size_0:
called_computation.2_lowered:
.L_overlay_start_0:
0x88: {  	s2 =	sld [smem:$0x3FD9]  }
0x89: {  	s3 =	sld [smem:$0x3FFE];
	_ =	sdelay $0x1  }
0x8a: {  	s1 =	srdreg.scid  }
0x8b: {  	s0 =	sand.u32 $0x1, s1  }
0x8c: {  	s16 =	sshll.u32 s0, $0xA;
	s2 =	sadd.s32 s3, s2  }
0x8d: {  	s2 =	sadd.s32 s2, s16  }
0x8e: {  	[smem:$0x3FC2] =	sst s2  }
0x8f: {  	_ = 	snop  }
0x90: {  	(tm) =	ssettm $0x1  }
0x91: {  	s17 =	sld [smem:$0x3FFB];
	_ =	sdelay $0x3  }
0x92: {  	_ =	strace s17  }
0x93: {  	s2 =	sld [smem:$0x3FFC];
	_ =	sdelay $0x3  }
0x94: {  	_ =	strace s2  }
0x95: {  	s2 =	sld [smem:$0x3FFD];
	_ =	sdelay $0x3  }
0x96: {  	_ =	strace s2  }
0x97: {  	_ =	strace $0x8FFFFFFF  }
0x98: {  	s18 =	sld [smem:$0x3FDB];
	_ =	sdelay $0x1  }
0x99: {  	s19 =	simm.s32 $_scs_section_size  }
0x9a: {  	s4 =	simm.s32 $_size__tile_overlayer_lowered;
	s5 =	simm.s32 $_tile_overlayer_lowered  }
0x9b: {  	s22 =	simm.s32 $0x1BFF;
	s21 =	sshll.u32 s5, $0x1;
	s2 =	sadd.s32 s19, s18  }
0x9c: {  	s6 =	simm.s32 $0x0;
	s20 =	sshll.u32 s4, $0x1;
	s4 =	sadd.s32 s21, s2  }
0x9d: {  	[timem:s6], [sflag:s22] =	dma.local [hbm:s4], s20  }
0x9e: {  	_ =	swait.ge [sflag:s22], s20  }
0x9f: {  	s3 =	ssub.s32 $0x0, s20;
	[sflag:s22] =	ssyncset.done $0x0  }
0xa0: {  	[sflag:s22] =	ssyncadd.s32 s3;
	_ =	sdelay $0x1  }
0xa1: {  	s23 =	simm.s32 $0x1B8B  }
0xa2: {  	_ =	swait.ge [sflag:s23], $0x1  }
0xa3: {  	[sflag:s23] =	ssyncset.done $0x0  }
0xa4: {  	s25 =	simm.s32 $0x1B8E;
	s24 =	sld [smem:$0x3FFE];
	[sflag:s23] =	ssyncadd.s32 $0xFFFFFFFF  }
0xa5: {  	s26 =	simm.s32 $execute0_lowered;
	[smem:$0x3FD2] =	sst s25  }
0xa6: {  	s4 =	sshll.u32 s26, $0x1;
	_ =	strace $0x8000004C;
	[dreg:$0x1] =	wrdreg $0xFFFFFFFF  }
0xa7: {  	s28 =	simm.s32 $_size_execute0_lowered;
	s2 =	sadd.s32 s2, s4;
	[dreg:$0x0] =	wrdreg $0x0  }
0xa8: {  	s4 =	sshll.u32 s28, $0x1;
	[dreg:$0x2] =	wrdreg s2  }
0xa9: {  	[dreg:$0x3] =	wrdreg s4  }
0xaa: {  	[dreg:$0x4] =	wrdreg $0xC0  }
0xab: {  	_ =	task [dreg:s6], $0x5FFFF  }
0xac: {  	[dreg:$0x1] =	wrdreg $0xFFFFFFFF  }
0xad: {  	[dreg:$0x0] =	wrdreg $0x60  }
0xae: {  	[dreg:$0x2] =	wrdreg s24  }
0xaf: {  	[dreg:$0x3] =	wrdreg $0x61000  }
0xb0: {  	[dreg:$0x4] =	wrdreg $0x9  }
0xb1: {  	_ =	task.clear_ibuf [dreg:s6], $0x5FFFF;
	_ =	strace $0x9000004C  }
0xb2: {  	s29 =	simm.s32 $0x9;
	_ =	strace $0x8000004E  }
0xb3: {  	_ =	swait.ge [sflag:s29], $0x1  }
0xb4: {  	[sflag:s29] =	ssyncadd.s32 $0xFFFFFFFF  }
0xb5: {  	_ =	strace $0x9000004E  }
0xb6: {  	_ =	sfence  }
0xb7: {  	s30 =	sld [smem:$0x0];
	_ =	sdelay $0x2  }
0xb8: {  	s31 =	sshll.u32 s1, $0xD;
	s1 =	sshrl.u32 s1, $0x2  }
0xb9: {  	s3 =	sand.u32 $0x4000, s31;
	s1 =	sadd.s32 s1, s30  }
0xba: {  	s0 =	sor.u32 s3, s0;
	s1 =	sshll.u32 s1, $0x11  }
0xbb: {  	s0 =	sor.u32 s1, s0  }
0xbc: {  	s0 =	sadd.s32 $0x8F2B, s0  }
0xbd: {  	[sflag:s0] =	ssyncadd.remote.s32 $0x1  }
0xbe: {  	_ =	sfence.sel $0xFFFF  }
0xbf: {  	[dreg:$0x0] =	wrdreg $0xFFFFFFFF;
	(pc) =	sbr.abs _section_cstart, $3  }
0xc0: {  	[dreg:$0x1] =	wrdreg $0xFFFFFFFF  }
0xc1: {  	_ =	task.clear_ibuf [dreg:s6], $0x2FFFF;
	_ =	strace $0x9FFFFFFF  }
0xc2: {  	(tm) =	ssettm $0x7FFFFFFF  }
0xc3: {  	_ =	shalt  }
tec
execute0_lowered:
.L_overlay_start_1:
0x0: {  	(tag) =	ssettag $0x1  }
0x1: {  	s6 =	rddreg [dreg:$0x0]  }
0x2: {  	s0 =	srdreg.scid;
	s2 =	rddreg [dreg:$0x1];
	s3 =	simm.s32 $0x0  }
0x3: {  	s14 =	simm.s32 $0x5100;
	s15 =	simm.s32 $0x2;
	s16 =	simm.s32 $0x80  }
0x4: {  	s17 =	simm.s32 $0x5900;
	s5 =	sand.u32 $0x1, s0;
	s0 =	stileid.u32  }
0x5: {  	s18 =	simm.s32 $0x1;
	s19 =	simm.s32 $0x0;
	s8 =	smul.u32 $0x2800, s0  }
0x6: {  	[smem:$0x7FF] =	sst s3;
	s1 =	sshll.u32 s5, $0x4;
	s9 =	smul.u32 $0x28000, s5  }
0x7: {  	s10 =	smul.u32 $0xA000, s0;
	s5 =	ssub.s32 $0x2, s5;
	s1 =	sor.u32 s0, s1  }
0x8: {  	s4 =	sadd.s32 $0xC200, s6;
	s30 =	sshrl.u32 s5, $0x1;
	s7 =	smul.u32 $0x510, s1  }
0x9: {  	s1 =	rddreg [dreg:$0x2];
	_ =	strace $0x8000004D;
	s29 =	sadd.s32 s8, s9  }
0xa: {  	s10 =	sshrl.u32 s10, $0x2;
	s13 =	ssub.s32 s5, s30;
	s5 =	sadd.s32 s8, s2  }
0xb: {  	s31 =	sadd.s32 s10, s2;
	s13 =	smax.u32 s13, $0x1;
	s11 =	sadd.s32 s7, s6  }
0xc: {  	s7 =	sshrl.u32 s29, $0x3;
	s8 =	sadd.s32 $0x1800, s31;
	s9 =	sadd.s32 $0x2000, s31  }
0xd: {  	s12 =	sadd.s32 s7, s6;
	s6 =	sadd.s32 $0x800, s31;
	s7 =	sadd.s32 $0x1000, s31  }
0xe: {  	v0 =	vimm.f32 $0.0e+00;
	s10 =	sadd.s32 $0x17200, s11;
	s11 =	sadd.s32 $0x2000, s11;
	s12 =	sadd.s32 $0x21400, s12  }
.LBB2_1:
0xf: {  	s20 =	simm.s32 $0x40;
	s21 =	simm.s32 $0x0  }
.LBB2_2:
0x10: {  	p0 =	sne.s32 s20, $0x3FC0;
	[tilespmem:s21+$0x5100] =	vst v0;
	s21 =	smov.u32 s20;
	s20 =	sadd.s32 $0x40, s20  }
.Ltmp0:
0x11: {  	(pc) =	sbr.rel @p0 .LBB2_2-.Ltmp0, $2  }
0x12: {  	_ =	sdelay $0x2  }
0x13: {  	s21 =	sshra.s32 s21, $0x2  }
0x14: {  	[tilespmem:s21+$0x5100] =	vst v0  }
0x15: {  	[spmem:s5] =	stream.linear.scatter [tilespmem:s14], [sflag:$0x2], $0x800, $0x38;
	[tilespmem:$0x8900] =	vst v63  }
0x16: {  	_ =	swait.ge [sflag:s15], $0x800  }
0x17: {  	[sflag:s15] =	ssyncset.done $0x0  }
0x18: {  	[sflag:s15] =	ssyncadd.s32 $0xFFFFF800  }
0x19: {  	[spmem:s6] =	stream.linear.scatter [tilespmem:s14], [sflag:$0x2], $0x800, $0x38;
	[tilespmem:$0x8900] =	vst v63  }
0x1a: {  	_ =	swait.ge [sflag:s15], $0x800  }
0x1b: {  	[sflag:s15] =	ssyncset.done $0x0  }
0x1c: {  	[sflag:s15] =	ssyncadd.s32 $0xFFFFF800  }
0x1d: {  	[spmem:s7] =	stream.linear.scatter [tilespmem:s14], [sflag:$0x2], $0x800, $0x38;
	[tilespmem:$0x8900] =	vst v63  }
0x1e: {  	_ =	swait.ge [sflag:s15], $0x800  }
0x1f: {  	[sflag:s15] =	ssyncset.done $0x0  }
0x20: {  	[sflag:s15] =	ssyncadd.s32 $0xFFFFF800  }
0x21: {  	[spmem:s8] =	stream.linear.scatter [tilespmem:s14], [sflag:$0x2], $0x800, $0x38;
	[tilespmem:$0x8900] =	vst v63  }
0x22: {  	_ =	swait.ge [sflag:s15], $0x800  }
0x23: {  	[sflag:s15] =	ssyncset.done $0x0  }
0x24: {  	[sflag:s15] =	ssyncadd.s32 $0xFFFFF800  }
0x25: {  	[spmem:s9] =	stream.linear.scatter [tilespmem:s14], [sflag:$0x2], $0x800, $0x38;
	[tilespmem:$0x8900] =	vst v63  }
0x26: {  	_ =	swait.ge [sflag:s15], $0x800  }
0x27: {  	[sflag:s15] =	ssyncset.done $0x0  }
0x28: {  	[sflag:s15] =	ssyncadd.s32 $0xFFFFF800  }
0x29: {  	[tilespmem:s3], [sflag:$0x2] =	stream.linear.gather [hbm4b:s10+s3], $0x2880, $0x38;
	[tilespmem:$0x8900] =	vst v63  }
0x2a: {  	_ =	swait.ge [sflag:s15], $0x2880  }
0x2b: {  	[sflag:s15] =	ssyncset.done $0x0  }
0x2c: {  	s20 =	simm.s32 $0x2880;
	[sflag:s15] =	ssyncadd.s32 $0xFFFFD780  }
0x2d: {  	[tilespmem:s20], [sflag:$0x2] =	stream.linear.gather [hbm4b:s11+s3], $0x2880, $0x38;
	[tilespmem:$0x8900] =	vst v63  }
0x2e: {  	_ =	swait.ge [sflag:s15], $0x2880  }
0x2f: {  	[sflag:s15] =	ssyncset.done $0x0  }
0x30: {  	[sflag:s15] =	ssyncadd.s32 $0xFFFFD780  }
0x31: {  	[bflag:$0x0] =	sbarrier.arrive $0xFFFF  }
0x32: {  	[tilespmem:s14], [sflag:$0x1] =	stream.indirect.gather [hbm4b:s4+s16], $0x10, s3, s16, $0xb8;
	[tilespmem:$0x8900] =	vst v63  }
0x33: {  	_ = 	snop  }
0x34: {  	[spmem:s2] =	stream.indirect.scatter.add.f32 [tilespmem:s17], [sflag:$0x2], $0x10, s20, s16, $0xb8;
	[tilespmem:$0x8900] =	vst v63  }
0x35: {  	_ =	swait.ge [sflag:s15], $0x800  }
0x36: {  	[sflag:s15] =	ssyncset.done $0x0  }
0x37: {  	s30 =	simm.s32 $0x1;
	s22 =	simm.s32 $0x800;
	[sflag:s15] =	ssyncadd.s32 $0xFFFFF800  }
0x38: {  	s23 =	simm.s32 $0x1000;
	s21 =	smin.u32 s30, $0x50;
	_ =	swait.ge [sflag:s30], $0x800  }
0x39: {  	s22 =	sand.u32 $0x800, s22;
	s23 =	sand.u32 $0x800, s23;
	[sflag:s30] =	ssyncset.done $0x0  }
0x3a: {  	s22 =	sor.u32 $0x5100, s22;
	s21 =	sshll.u32 s21, $0x7;
	[sflag:s30] =	ssyncadd.s32 $0xFFFFF800  }
0x3b: {  	[tilespmem:s22], [sflag:$0x1] =	stream.indirect.gather [hbm4b:s4+s16], $0x10, s21, s16, $0xb8;
	[tilespmem:$0x8900] =	vst v63  }
0x3c: {  	s31 =	sor.u32 $0x5100, s23  }
0x3d: {  	[spmem:s2] =	stream.indirect.scatter.add.f32 [tilespmem:s31], [sflag:$0x2], $0x10, s20, s16, $0xb8;
	[tilespmem:$0x8900] =	vst v63  }
0x3e: {  	_ =	swait.ge [sflag:s15], $0x800  }
0x3f: {  	s24 =	simm.s32 $0x2;
	s25 =	simm.s32 $0x1000;
	[sflag:s15] =	ssyncset.done $0x0  }
0x40: {  	s24 =	smin.u32 s24, $0x50;
	s25 =	sand.u32 $0x800, s25;
	[sflag:s15] =	ssyncadd.s32 $0xFFFFF800  }
0x41: {  	s21 =	simm.s32 $0x3;
	s22 =	simm.s32 $0x1800;
	_ =	swait.ge [sflag:s18], $0x800  }
0x42: {  	s23 =	sand.u32 $0x800, s22;
	s20 =	simm.s32 $0x2900;
	[sflag:s18] =	ssyncset.done $0x0  }
.LBB2_4:
0x43: {  	s25 =	sor.u32 $0x5100, s25  }
0x44: {  	s24 =	sshll.u32 s24, $0x7;
	[sflag:s18] =	ssyncadd.s32 $0xFFFFF800;
	s26 =	smov.u32 s21  }
0x45: {  	[tilespmem:s25], [sflag:$0x1] =	stream.indirect.gather [hbm4b:s4+s16], $0x10, s24, s16, $0xb8;
	[tilespmem:$0x8900] =	vst v63  }
0x46: {  	p0 =	sne.s32 s21, $0x51;
	s21 =	sadd.s32 $0x1, s21;
	s23 =	sor.u32 $0x5100, s23  }
0x47: {  	[spmem:s2] =	stream.indirect.scatter.add.f32 [tilespmem:s23], [sflag:$0x2], $0x10, s20, s16, $0xb8;
	[tilespmem:$0x8900] =	vst v63  }
.Ltmp1:
0x48: {  	_ =	swait.ge [sflag:s15], $0x800;
	(pc) =	sbr.rel @p0 .LBB2_4-.Ltmp1, $4  }
0x49: {  	[sflag:s15] =	ssyncset.done $0x0  }
0x4a: {  	s22 =	sadd.s32 $0x800, s22;
	s20 =	sadd.s32 $0x80, s20;
	[sflag:s15] =	ssyncadd.s32 $0xFFFFF800  }
0x4b: {  	s25 =	sadd.s32 $0xFFFFF800, s22;
	s23 =	sand.u32 $0x800, s22;
	_ =	swait.ge [sflag:s18], $0x800  }
0x4c: {  	s24 =	smin.u32 s26, $0x50;
	s25 =	sand.u32 $0x800, s25;
	[sflag:s18] =	ssyncset.done $0x0  }
0x4d: {  	s21 =	sor.u32 $0x5100, s25;
	s22 =	sshll.u32 s24, $0x7;
	[sflag:s18] =	ssyncadd.s32 $0xFFFFF800  }
0x4e: {  	[tilespmem:s21], [sflag:$0x1] =	stream.indirect.gather [hbm4b:s4+s16], $0x10, s22, s16, $0xb8;
	[tilespmem:$0x8900] =	vst v63  }
0x4f: {  	s29 =	sor.u32 $0x5100, s23  }
0x50: {  	[spmem:s2] =	stream.indirect.scatter.add.f32 [tilespmem:s29], [sflag:$0x2], $0x10, s20, s16, $0xb8;
	[tilespmem:$0x8900] =	vst v63  }
0x51: {  	_ =	swait.ge [sflag:s15], $0x800  }
0x52: {  	[sflag:s15] =	ssyncset.done $0x0  }
0x53: {  	[sflag:s15] =	ssyncadd.s32 $0xFFFFF800  }
0x54: {  	_ =	swait.ge [sflag:s18], $0x800  }
0x55: {  	s30 =	sshll.u32 s0, $0x6;
	s19 =	sadd.s32 $0x1, s19;
	[sflag:s18] =	ssyncset.done $0x0  }
0x56: {  	s31 =	sshrl.u32 s5, $0x3;
	p0 =	sne.s32 s19, s13;
	[sflag:s18] =	ssyncadd.s32 $0xFFFFF800  }
.Ltmp2:
0x57: {  	s20 =	sor.u32 $0x1C02, s30;
	[bflag:$0x0] =	sbarrier.arrive $0xFFFF;
	(pc) =	sbr.rel @p0 .LBB2_1-.Ltmp2, $4  }
0x58: {  	[hbm:s12], [sflag:s20] =	dma.local [spmem:s31], $0x500  }
0x59: {  	_ =	swait.ge [sflag:s15], $0x500  }
0x5a: {  	[sflag:s15] =	ssyncset.done $0x0  }
0x5b: {  	[sflag:s15] =	ssyncadd.s32 $0xFFFFFB00  }
0x5c: {  	_ =	sfence.sel $0x180000  }
0x5d: {  	[bflag:$0x0] =	sbarrier.arrive $0xFFFF  }
0x5e: {  	p0 =	sne.s32 s0, $0x0;
	_ =	strace $0x9000004D  }
0x5f: {  	s0 =	sadd.s32 @!p0 $0x100000, s1;
	[bflag:$0x2] =	sbarrier.arrive $0xFFFF  }
0x60: {  	[sflag:s0] =	ssyncadd.tile.s32 @!p0 $0x1;
	_ =	shalt  }
.Lfunc_end2:
_tile_overlayer_lowered:
.L_overlay_start_2:
0x61: {  	(tag) =	ssettag $0x2  }
0x62: {  	s0 =	rddreg [dreg:$0x0];
	s2 =	stileid.u32  }
0x63: {  	s1 =	rddreg [dreg:$0x1];
	p0 =	sne.s32 s2, $0x0  }
0x64: {  	s3 =	rddreg [dreg:$0x2];
	[bflag:$0x3] =	sbarrier.arrive $0xFFFF;
	s2 =	simm.s32 @!p0 $0x1C02  }
0x65: {  	[timem:s3], [sflag:s2] =	dma.local @!p0 [hbm:s0], s1  }
0x66: {  	s0 =	simm.s32 @!p0 $0x2  }
0x67: {  	_ =	swait.ge @!p0 [sflag:s0], s1  }
0x68: {  	s1 =	ssub.s32 @!p0 $0x0, s1;
	[sflag:s0] =	ssyncset.done @!p0 $0x0  }
0x69: {  	[sflag:s0] =	ssyncadd.s32 @!p0 s1  }
0x6a: {  	[bflag:$0x3] =	sbarrier.arrive $0xFFFF  }
0x6b: {  	_ =	shalt  }

// kernel: kernel.8.cloned.1.call-start
scs
__scs_entry_jumppad:
0x0: {  	(pc) =	sbr.rel $0x88, $3  }
0x1: {  	(tag) =	ssettag $0x0;
	lr =	simm.s32 $0x1  }
0x2: {  	[smem:$0x3F9B] =	sst lr;
	_ =	strace $0xD0000000  }
0x3: {  	_ = 	snop  }
0x4: {  	_ = 	snop  }
0x5: {  	_ = 	snop  }
0x6: {  	_ = 	snop  }
0x7: {  	_ = 	snop  }
__scs_overlays_trampoline_lowered:
0x8: {  	[smem:$0x3FAA] =	sst s0  }
0x9: {  	[smem:$0x3FAB] =	sst s1  }
0xa: {  	[smem:$0x3FAC] =	sst s2  }
0xb: {  	[smem:$0x3FAD] =	sst s3  }
0xc: {  	[smem:$0x3FAE] =	sst s4  }
0xd: {  	[smem:$0x3FAF] =	sst s5  }
0xe: {  	[smem:$0x3FB0] =	sst s6  }
0xf: {  	[smem:$0x3FB1] =	sst s7  }
0x10: {  	[smem:$0x3FB2] =	sst s8  }
0x11: {  	[smem:$0x3FB3] =	sst s9;
	s0 =	simm.s32 @!p0 $0x0  }
0x12: {  	s1 =	sld [smem:$0x3F99];
	s0 =	simm.s32 @p0 $0x1  }
0x13: {  	[smem:$0x3FB4] =	sst s0;
	s0 =	simm.s32 @!p1 $0x0  }
0x14: {  	s2 =	sld [smem:$0x3F98];
	s0 =	simm.s32 @p1 $0x1  }
0x15: {  	[smem:$0x3FB5] =	sst s0;
	s0 =	simm.s32 @!p2 $0x0  }
0x16: {  	s3 =	sld [smem:$0x3FDB];
	s0 =	simm.s32 @p2 $0x1  }
0x17: {  	s4 =	simm.s32 $0x1BF5;
	[smem:$0x3FB7] =	sst s0  }
0x18: {  	s0 =	sld [smem:$0x3F9A];
	_ =	swait.ge [sflag:s4], $0x0  }
0x19: {  	s7 =	sld [smem:$0x3F9B]  }
0x1a: {  	s8 =	sadd.s32 $0xFFFFE003, lr  }
0x1b: {  	s9 =	sadd.s32 $0xFFFFFEF7, lr;
	s5 =	simm.s32 $0xFFFFFFFF;
	p2 =	slt.u32 s8, $0xFFFFF086  }
0x1c: {  	p1 =	slt.u32 s9, $0xF7A;
	s5 =	simm.s32 @!p2 $0x0  }
0x1d: {  	s5 =	simm.s32 @p1 $0x1;
	p0 =	seq.s32 s7, s2  }
0x1e: {  	s7 =	smul.u32 @!p0 $0xF7A, s2;
	p2 =	seq.s32 @!p0 s5, $0x0  }
0x1f: {  	s9 =	smul.u32 $0xF7A, s1;
	s8 =	simm.s32 @!p0 $0x1BF5;
	p2 =	por !p2, p0  }
0x20: {  	[sflag:s8] =	ssyncset.s32 @!p0 $0xFFFFF086;
	s6 =	sadd.s32 @!p0 s3, s7;
	s7 =	simm.s32 @!p0 $0x108  }
0x21: {  	s3 =	sadd.s32 s3, s9;
	s6 =	sadd.s32 @!p0 $0x88, s6;
	s7 =	simm.s32 @p2 $0x1082  }
0x22: {  	[simem:s7], [sflag:s8] =	dma.local @!p0 [hbm:s6], $0xF7A  }
0x23: {  	s9 =	sor.u32 $0xD0000000, s2;
	s6 =	simm.s32 $0x108;
	_ =	swait.ge @!p0 [sflag:s8], $0x0  }
0x24: {  	s3 =	sadd.s32 $0x88, s3;
	s6 =	simm.s32 @!p1 $0x1082;
	[sflag:s4] =	ssyncset.s32 $0xFFFFF086  }
0x25: {  	[simem:s6], [sflag:s4] =	dma.local [hbm:s3], $0xF7A  }
0x26: {  	[smem:$0x3F9B] =	sst s1;
	(tag) =	ssettag s2;
	_ =	strace s9  }
0x27: {  	s1 =	sld [smem:$0x3FAB]  }
0x28: {  	s2 =	sld [smem:$0x3FAC]  }
0x29: {  	s4 =	sld [smem:$0x3FAE]  }
0x2a: {  	p0 =	seq.s32 s5, $0x0;
	s5 =	sld [smem:$0x3FAF]  }
0x2b: {  	s6 =	sld [smem:$0x3FB0]  }
0x2c: {  	s7 =	sld [smem:$0x3FB1]  }
0x2d: {  	s3 =	simm.s32 $0x108;
	s8 =	sld [smem:$0x3FB2]  }
0x2e: {  	s3 =	simm.s32 @!p0 $0x1082;
	s9 =	sld [smem:$0x3FB3]  }
0x2f: {  	lr =	sadd.s32 s0, s3;
	s0 =	sld [smem:$0x3FAA]  }
0x30: {  	s3 =	sld [smem:$0x3FAD]  }
0x31: {  	[smem:$0x3FB6] =	sst s10  }
0x32: {  	s10 =	sld [smem:$0x3FB4];
	_ =	sdelay $0x3  }
0x33: {  	p0 =	seq.s32 s10, $0x1;
	s10 =	sld [smem:$0x3FB6];
	_ =	sdelay $0x3  }
0x34: {  	[smem:$0x3FB6] =	sst s10  }
0x35: {  	s10 =	sld [smem:$0x3FB5];
	_ =	sdelay $0x3  }
0x36: {  	p1 =	seq.s32 s10, $0x1;
	s10 =	sld [smem:$0x3FB6];
	_ =	sdelay $0x3  }
0x37: {  	[smem:$0x3FB6] =	sst s10  }
0x38: {  	s10 =	sld [smem:$0x3FB7]  }
0x39: {  	_ = 	snop;
	(pc) =	sbr.ind lr, $3  }
0x3a: {  	_ = 	snop  }
0x3b: {  	_ = 	snop  }
0x3c: {  	p2 =	seq.s32 s10, $0x1;
	s10 =	sld [smem:$0x3FB6]  }
0x3d: {  	_ =	shalt  }
0x3e: {  	_ =	shalt  }
0x3f: {  	_ =	shalt  }
0x40: {  	_ =	shalt  }
0x41: {  	_ =	shalt  }
0x42: {  	_ =	shalt  }
0x43: {  	_ =	shalt  }
0x44: {  	_ =	shalt  }
0x45: {  	_ =	shalt  }
0x46: {  	_ =	shalt  }
0x47: {  	_ =	shalt  }
0x48: {  	_ =	shalt  }
0x49: {  	_ =	shalt  }
0x4a: {  	_ =	shalt  }
0x4b: {  	_ =	shalt  }
0x4c: {  	_ =	shalt  }
0x4d: {  	_ =	shalt  }
0x4e: {  	_ =	shalt  }
0x4f: {  	_ =	shalt  }
0x50: {  	_ =	shalt  }
0x51: {  	_ =	shalt  }
0x52: {  	_ =	shalt  }
0x53: {  	_ =	shalt  }
0x54: {  	_ =	shalt  }
0x55: {  	_ =	shalt  }
0x56: {  	_ =	shalt  }
0x57: {  	_ =	shalt  }
0x58: {  	_ =	shalt  }
0x59: {  	_ =	shalt  }
0x5a: {  	_ =	shalt  }
0x5b: {  	_ =	shalt  }
0x5c: {  	_ =	shalt  }
0x5d: {  	_ =	shalt  }
0x5e: {  	_ =	shalt  }
0x5f: {  	_ =	shalt  }
0x60: {  	_ =	shalt  }
0x61: {  	_ =	shalt  }
0x62: {  	_ =	shalt  }
0x63: {  	_ =	shalt  }
0x64: {  	_ =	shalt  }
0x65: {  	_ =	shalt  }
0x66: {  	_ =	shalt  }
0x67: {  	_ =	shalt  }
0x68: {  	_ =	shalt  }
0x69: {  	_ =	shalt  }
0x6a: {  	_ =	shalt  }
0x6b: {  	_ =	shalt  }
0x6c: {  	_ =	shalt  }
0x6d: {  	_ =	shalt  }
0x6e: {  	_ =	shalt  }
0x6f: {  	_ =	shalt  }
0x70: {  	_ =	shalt  }
0x71: {  	_ =	shalt  }
0x72: {  	_ =	shalt  }
0x73: {  	_ =	shalt  }
0x74: {  	_ =	shalt  }
0x75: {  	_ =	shalt  }
0x76: {  	_ =	shalt  }
0x77: {  	_ =	shalt  }
0x78: {  	_ =	shalt  }
0x79: {  	_ =	shalt  }
0x7a: {  	_ =	shalt  }
0x7b: {  	_ =	shalt  }
0x7c: {  	_ =	shalt  }
0x7d: {  	_ =	shalt  }
0x7e: {  	_ =	shalt  }
0x7f: {  	_ =	shalt  }
0x80: {  	_ =	shalt  }
0x81: {  	_ =	shalt  }
0x82: {  	_ =	shalt  }
0x83: {  	_ =	shalt  }
0x84: {  	_ =	shalt  }
0x85: {  	_ =	shalt  }
0x86: {  	_ =	shalt  }
0x87: {  	_ =	shalt  }
.Lfunc_end0:
.L_simem_size_0:
called_computation_lowered:
.L_overlay_start_0:
0x88: {  	s2 =	sld [smem:$0x3FD9]  }
0x89: {  	s3 =	sld [smem:$0x3FFE];
	_ =	sdelay $0x1  }
0x8a: {  	s1 =	srdreg.scid  }
0x8b: {  	s0 =	sand.u32 $0x1, s1  }
0x8c: {  	s17 =	sshll.u32 s0, $0xA;
	s2 =	sadd.s32 s3, s2  }
0x8d: {  	s2 =	sadd.s32 s2, s17  }
0x8e: {  	[smem:$0x3FC2] =	sst s2  }
0x8f: {  	_ = 	snop  }
0x90: {  	s2 =	sld [smem:$0x3FD0];
	(tm) =	ssettm $0x1  }
0x91: {  	s18 =	sld [smem:$0x3FFB];
	_ =	sdelay $0x3  }
0x92: {  	_ =	strace s18  }
0x93: {  	s3 =	sld [smem:$0x3FFC];
	_ =	sdelay $0x3  }
0x94: {  	_ =	strace s3  }
0x95: {  	s3 =	sld [smem:$0x3FFD];
	_ =	sdelay $0x3  }
0x96: {  	_ =	strace s3  }
0x97: {  	_ =	strace $0x8FFFFFFF  }
0x98: {  	s19 =	sld [smem:$0x3FDB];
	_ =	sdelay $0x1  }
0x99: {  	s4 =	simm.s32 $_scs_section_size  }
0x9a: {  	s5 =	simm.s32 $_size__tile_overlayer_lowered;
	s6 =	simm.s32 $_tile_overlayer_lowered  }
0x9b: {  	s22 =	simm.s32 $0x1BFF;
	s21 =	sshll.u32 s6, $0x1;
	s3 =	sadd.s32 s4, s19  }
0x9c: {  	s7 =	simm.s32 $0x0;
	s20 =	sshll.u32 s5, $0x1;
	s5 =	sadd.s32 s21, s3  }
0x9d: {  	[timem:s7], [sflag:s22] =	dma.local [hbm:s5], s20  }
0x9e: {  	_ =	swait.ge [sflag:s22], s20  }
0x9f: {  	s4 =	ssub.s32 $0x0, s20;
	[sflag:s22] =	ssyncset.done $0x0  }
0xa0: {  	[sflag:s22] =	ssyncadd.s32 s4;
	_ =	sdelay $0x1  }
0xa1: {  	s23 =	simm.s32 $0x1B8B  }
0xa2: {  	_ =	swait.ge [sflag:s23], $0x1  }
0xa3: {  	[sflag:s23] =	ssyncset.done $0x0  }
0xa4: {  	s25 =	simm.s32 $0x1B8E;
	s24 =	sld [smem:$0x3FFE];
	[sflag:s23] =	ssyncadd.s32 $0xFFFFFFFF  }
0xa5: {  	s26 =	simm.s32 $execute0_lowered;
	[smem:$0x3FD2] =	sst s25  }
0xa6: {  	s5 =	sshll.u32 s26, $0x1;
	_ =	strace $0x80000046;
	[dreg:$0x1] =	wrdreg $0xFFFFFFFF  }
0xa7: {  	s28 =	simm.s32 $_size_execute0_lowered;
	s3 =	sadd.s32 s3, s5;
	[dreg:$0x0] =	wrdreg $0x0  }
0xa8: {  	s5 =	sshll.u32 s28, $0x1;
	[dreg:$0x2] =	wrdreg s3  }
0xa9: {  	[dreg:$0x3] =	wrdreg s5  }
0xaa: {  	[dreg:$0x4] =	wrdreg $0xC0  }
0xab: {  	_ =	task [dreg:s7], $0x5FFFF  }
0xac: {  	[dreg:$0x1] =	wrdreg $0xFFFFFFFF  }
0xad: {  	[dreg:$0x0] =	wrdreg $0x60  }
0xae: {  	[dreg:$0x2] =	wrdreg s24  }
0xaf: {  	[dreg:$0x3] =	wrdreg s2  }
0xb0: {  	[dreg:$0x4] =	wrdreg $0x2F000  }
0xb1: {  	[dreg:$0x5] =	wrdreg $0x9  }
0xb2: {  	_ =	task.clear_ibuf [dreg:s7], $0x6FFFF;
	_ =	strace $0x90000046  }
0xb3: {  	s29 =	simm.s32 $0x9;
	_ =	strace $0x80000048  }
0xb4: {  	_ =	swait.ge [sflag:s29], $0x1  }
0xb5: {  	[sflag:s29] =	ssyncadd.s32 $0xFFFFFFFF  }
0xb6: {  	_ =	strace $0x90000048  }
0xb7: {  	_ =	sfence  }
0xb8: {  	s30 =	sld [smem:$0x0];
	_ =	sdelay $0x2  }
0xb9: {  	s31 =	sshll.u32 s1, $0xD;
	s1 =	sshrl.u32 s1, $0x2  }
0xba: {  	s3 =	sand.u32 $0x4000, s31;
	s1 =	sadd.s32 s1, s30  }
0xbb: {  	s0 =	sor.u32 s3, s0;
	s1 =	sshll.u32 s1, $0x11  }
0xbc: {  	s0 =	sor.u32 s1, s0  }
0xbd: {  	s0 =	sadd.s32 $0x8F2B, s0  }
0xbe: {  	[sflag:s0] =	ssyncadd.remote.s32 $0x1  }
0xbf: {  	_ =	sfence.sel $0xFFFF  }
0xc0: {  	[dreg:$0x0] =	wrdreg $0xFFFFFFFF;
	(pc) =	sbr.abs _section_cstart, $3  }
0xc1: {  	[dreg:$0x1] =	wrdreg $0xFFFFFFFF  }
0xc2: {  	_ =	task.clear_ibuf [dreg:s7], $0x2FFFF;
	_ =	strace $0x9FFFFFFF  }
0xc3: {  	(tm) =	ssettm $0x7FFFFFFF  }
tec
execute0_lowered:
.L_overlay_start_1:
0x0: {  	(tag) =	ssettag $0x1  }
0x1: {  	s4 =	rddreg [dreg:$0x0]  }
0x2: {  	s6 =	rddreg [dreg:$0x1]  }
0x3: {  	s0 =	srdreg.scid;
	s2 =	rddreg [dreg:$0x2]  }
0x4: {  	s3 =	simm.s32 $0x0;
	s11 =	simm.s32 $0x2C00;
	s14 =	simm.s32 $0x20  }
0x5: {  	s15 =	simm.s32 $0x10;
	s5 =	sand.u32 $0x1, s0;
	s0 =	stileid.u32  }
0x6: {  	s16 =	simm.s32 $0x0;
	[smem:$0x7FF] =	sst s3;
	s8 =	smul.u32 $0xA00, s0  }
0x7: {  	s1 =	sshll.u32 s5, $0x4;
	s9 =	ssub.s32 $0x2, s5;
	s10 =	smul.u32 $0x500, s0  }
0x8: {  	s5 =	sshll.u32 s5, $0x7;
	s12 =	sshll.u32 s0, $0x6;
	s7 =	sor.u32 s0, s1  }
0x9: {  	s1 =	rddreg [dreg:$0x3];
	_ =	strace $0x80000047;
	s28 =	sshrl.u32 s9, $0x1  }
0xa: {  	s12 =	sor.u32 $0x1C01, s12;
	s7 =	smul.u32 $0x580, s7;
	s9 =	ssub.s32 s9, s28  }
0xb: {  	s29 =	sshrl.u32 s8, $0x2;
	s30 =	sor.u32 s5, s10;
	s8 =	simm.s32 $0x2C80  }
0xc: {  	s10 =	simm.s32 $0x80;
	s31 =	sshrl.u32 s30, $0x3;
	s7 =	sadd.s32 s7, s4  }
0xd: {  	s4 =	sadd.s32 s29, s2;
	s6 =	sadd.s32 s6, s31;
	s5 =	sadd.s32 $0xC200, s7  }
0xe: {  	v0 =	vimm.f32 $1.000000000e+00;
	v1 =	vimm.f32 $0.0e+00;
	s7 =	smax.u32 s9, $0x1;
	s9 =	simm.s32 $0x1;
	s13 =	sshrl.u32 s4, $0x3  }
.LBB2_1:
0xf: {  	[tilespmem:$0x2C00] =	vst v0  }
0x10: {  	[tilespmem:$0x2C10] =	vst v0  }
0x11: {  	[tilespmem:$0x2C20] =	vst v0  }
0x12: {  	[tilespmem:$0x2C30] =	vst v0  }
0x13: {  	[tilespmem:$0x2C40] =	vst v0  }
0x14: {  	[tilespmem:$0x2C50] =	vst v0  }
0x15: {  	[tilespmem:$0x2C60] =	vst v0  }
0x16: {  	[tilespmem:$0x2C70] =	vst v0  }
0x17: {  	[tilespmem:$0x2C80] =	vst v1  }
0x18: {  	[tilespmem:$0x2C90] =	vst v1  }
0x19: {  	[tilespmem:$0x2CA0] =	vst v1  }
0x1a: {  	[tilespmem:$0x2CB0] =	vst v1  }
0x1b: {  	[tilespmem:$0x2CC0] =	vst v1  }
0x1c: {  	[tilespmem:$0x2CD0] =	vst v1  }
0x1d: {  	[tilespmem:$0x2CE0] =	vst v1  }
0x1e: {  	[tilespmem:$0x2CF0] =	vst v1  }
0x1f: {  	[tilespmem:$0x2D00] =	vst v1  }
0x20: {  	[tilespmem:$0x2D10] =	vst v1  }
0x21: {  	[tilespmem:$0x2D20] =	vst v1  }
0x22: {  	[tilespmem:$0x2D30] =	vst v1  }
0x23: {  	[tilespmem:$0x2D40] =	vst v1  }
0x24: {  	[tilespmem:$0x2D50] =	vst v1  }
0x25: {  	[tilespmem:$0x2D60] =	vst v1  }
0x26: {  	[tilespmem:$0x2D70] =	vst v1  }
0x27: {  	[tilespmem:$0x2D80] =	vst v1  }
0x28: {  	[tilespmem:$0x2D90] =	vst v1  }
0x29: {  	[tilespmem:$0x2DA0] =	vst v1  }
0x2a: {  	[tilespmem:$0x2DB0] =	vst v1  }
0x2b: {  	[tilespmem:$0x2DC0] =	vst v1  }
0x2c: {  	[tilespmem:$0x2DD0] =	vst v1  }
0x2d: {  	[tilespmem:$0x2DE0] =	vst v1  }
0x2e: {  	[tilespmem:$0x2DF0] =	vst v1  }
0x2f: {  	[tilespmem:$0x2E00] =	vst v1  }
0x30: {  	[tilespmem:$0x2E10] =	vst v1  }
0x31: {  	[tilespmem:$0x2E20] =	vst v1  }
0x32: {  	[tilespmem:$0x2E30] =	vst v1  }
0x33: {  	[tilespmem:$0x2E40] =	vst v1  }
0x34: {  	[tilespmem:$0x2E50] =	vst v1  }
0x35: {  	[tilespmem:$0x2E60] =	vst v1  }
0x36: {  	[tilespmem:$0x2E70] =	vst v1  }
0x37: {  	[tilespmem:$0x2E80] =	vst v1  }
0x38: {  	[tilespmem:$0x2E90] =	vst v1  }
0x39: {  	[tilespmem:$0x2EA0] =	vst v1  }
0x3a: {  	[tilespmem:$0x2EB0] =	vst v1  }
0x3b: {  	[tilespmem:$0x2EC0] =	vst v1  }
0x3c: {  	[tilespmem:$0x2ED0] =	vst v1  }
0x3d: {  	[tilespmem:$0x2EE0] =	vst v1  }
0x3e: {  	[tilespmem:$0x2EF0] =	vst v1  }
0x3f: {  	[spmem:s4] =	stream.linear.scatter [tilespmem:s8], [sflag:$0x1], $0x280, $0x38;
	[tilespmem:$0x3180] =	vst v63  }
0x40: {  	_ =	swait.ge [sflag:s9], $0x280  }
0x41: {  	[sflag:s9] =	ssyncset.done $0x0  }
0x42: {  	[sflag:s9] =	ssyncadd.s32 $0xFFFFFD80  }
0x43: {  	[tilespmem:s3], [sflag:$0x1] =	stream.linear.gather [hbm4b:s5+s3], $0x2880, $0x38;
	[tilespmem:$0x3180] =	vst v63  }
0x44: {  	_ =	swait.ge [sflag:s9], $0x2880  }
0x45: {  	[sflag:s9] =	ssyncset.done $0x0  }
0x46: {  	[sflag:s9] =	ssyncadd.s32 $0xFFFFD780  }
0x47: {  	s17 =	simm.s32 $0x0;
	[bflag:$0x0] =	sbarrier.arrive $0xFFFF  }
0x48: {  	[spmem:s2] =	stream.indirect.scatter.add.f32 [tilespmem:s11], [sflag:$0x1], $0x1, s17, s10, $0xb8;
	[tilespmem:$0x3180] =	vst v63  }
0x49: {  	_ =	swait.ge [sflag:s9], $0x80  }
0x4a: {  	s17 =	simm.s32 $0x200;
	[sflag:s9] =	ssyncset.done $0x0  }
.LBB2_2:
0x4b: {  	s18 =	sshra.s32 s17, $0x2;
	[sflag:s9] =	ssyncadd.s32 $0xFFFFFF80;
	p0 =	sne.s32 s17, $0xA000  }
0x4c: {  	[spmem:s2] =	stream.indirect.scatter.add.f32 [tilespmem:s11], [sflag:$0x1], $0x1, s18, s10, $0xb8;
	[tilespmem:$0x3180] =	vst v63  }
.Ltmp0:
0x4d: {  	_ = 	snop;
	(pc) =	sbr.rel @p0 .LBB2_2-.Ltmp0, $4  }
0x4e: {  	_ = 	snop  }
0x4f: {  	s17 =	sadd.s32 $0x200, s17  }
0x50: {  	_ =	swait.ge [sflag:s9], $0x80  }
0x51: {  	[sflag:s9] =	ssyncset.done $0x0  }
0x52: {  	s16 =	sadd.s32 $0x1, s16  }
0x53: {  	[sflag:s9] =	ssyncadd.s32 $0xFFFFFF80;
	p0 =	sne.s32 s16, s7  }
.Ltmp1:
0x54: {  	[bflag:$0x0] =	sbarrier.arrive $0xFFFF;
	(pc) =	sbr.rel @p0 .LBB2_1-.Ltmp1, $4  }
0x55: {  	[hbm:s6@s14], [sflag:s12] =	dma.strided [spmem:s13@s15], $0x50, s9, $0x10   }
0x56: {  	_ =	swait.ge [sflag:s9], $0x50  }
0x57: {  	[sflag:s9] =	ssyncset.done $0x0  }
0x58: {  	[sflag:s9] =	ssyncadd.s32 $0xFFFFFFB0  }
0x59: {  	_ =	sfence.sel $0x180000  }
0x5a: {  	[bflag:$0x0] =	sbarrier.arrive $0xFFFF  }
0x5b: {  	p0 =	sne.s32 s0, $0x0;
	_ =	strace $0x90000047  }
0x5c: {  	s0 =	sadd.s32 @!p0 $0x100000, s1;
	[bflag:$0x2] =	sbarrier.arrive $0xFFFF  }
0x5d: {  	[sflag:s0] =	ssyncadd.tile.s32 @!p0 $0x1;
	_ =	shalt  }
.Lfunc_end2:
_tile_overlayer_lowered:
.L_overlay_start_2:
0x5e: {  	(tag) =	ssettag $0x2  }
0x5f: {  	s0 =	rddreg [dreg:$0x0];
	s2 =	stileid.u32  }
0x60: {  	s1 =	rddreg [dreg:$0x1];
	p0 =	sne.s32 s2, $0x0  }
0x61: {  	s3 =	rddreg [dreg:$0x2];
	[bflag:$0x3] =	sbarrier.arrive $0xFFFF;
	s2 =	simm.s32 @!p0 $0x1C01  }
0x62: {  	[timem:s3], [sflag:s2] =	dma.local @!p0 [hbm:s0], s1  }
0x63: {  	s0 =	simm.s32 @!p0 $0x1  }
0x64: {  	_ =	swait.ge @!p0 [sflag:s0], s1  }
0x65: {  	s1 =	ssub.s32 @!p0 $0x0, s1;
	[sflag:s0] =	ssyncset.done @!p0 $0x0  }
0x66: {  	[sflag:s0] =	ssyncadd.s32 @!p0 s1  }
0x67: {  	[bflag:$0x3] =	sbarrier.arrive $0xFFFF  }
0x68: {  	_ =	shalt  }

</sc_bundles>
